<compile_context>
chip_gen: v7x
topology: tpu7x:2x2x1
jax: 0.10.2.dev20260603
libtpu: 0.0.44.dev20260713+nightly
codegen_flags: <defaults>
</compile_context>

<pallas_src>
import functools
import math

import jax
import jax.numpy as jnp
from jax import lax
from jax.experimental import pallas as pl
from jax.experimental.pallas import tpu as pltpu
from jax.experimental.pallas import tpu_sc as plsc

_IDX_MINOR = 128
_CHUNK = 128
_NBUF = 4
_NCOMP = 2
_AHEAD = 3


@functools.cache
def _make(B, V, DP, D):
    info = plsc.get_sparse_core_info()
    nw = info.num_cores * info.num_subcores
    b_per_w = B // nw
    idx_rows_per_w = b_per_w // _IDX_MINOR
    n_chunks = b_per_w // _CHUNK
    assert _CHUNK * nw * n_chunks == B
    n_outer = (n_chunks + _NBUF - 1) // _NBUF

    mesh = plsc.VectorSubcoreMesh(core_axis_name="c", subcore_axis_name="s")
    scale = float(math.sqrt(D))

    @functools.partial(
        pl.kernel,
        out_type=jax.ShapeDtypeStruct((B, D), jnp.float32),
        mesh=mesh,
        scratch_types=[
            pltpu.VMEM((idx_rows_per_w, _IDX_MINOR), jnp.int32),
            pltpu.VMEM((_NBUF, _CHUNK, DP), jnp.float32),
            pltpu.VMEM((_NCOMP, _CHUNK, D), jnp.float32),
            pltpu.SemaphoreType.DMA((_NBUF,)),
            pltpu.SemaphoreType.DMA((_NCOMP,)),
        ],
        compiler_params=pltpu.CompilerParams(use_tc_tiling_on_sc=True),
    )
    def emb_kernel(x_hbm, w_hbm, out_hbm, idx_v, rows_v, comp_v, gsem, osem):
        wid = lax.axis_index("s") * info.num_cores + lax.axis_index("c")
        idx_row_base = wid * idx_rows_per_w
        out_base = wid * b_per_w

        pltpu.sync_copy(x_hbm.at[pl.ds(idx_row_base, idx_rows_per_w)], idx_v)

        def issue_gather(g, b):
            pltpu.async_copy(w_hbm.at[idx_v.at[g]], rows_v.at[b], gsem.at[b])

        def wait_gather(b):
            pltpu.make_async_copy(
                w_hbm.at[pl.ds(0, _CHUNK)], rows_v.at[b], gsem.at[b]
            ).wait()

        def issue_out(g, q):
            pltpu.async_copy(
                comp_v.at[q], out_hbm.at[pl.ds(out_base + g * _CHUNK, _CHUNK)],
                osem.at[q],
            )

        def wait_out(q):
            pltpu.make_async_copy(
                comp_v.at[q], out_hbm.at[pl.ds(0, _CHUNK)], osem.at[q]
            ).wait()

        for g0 in range(_AHEAD):
            issue_gather(jnp.int32(g0), g0)

        def outer(p, carry):
            for b in range(_NBUF):
                g = p * _NBUF + b
                q = b % _NCOMP

                @pl.when(g < n_chunks)
                def _():
                    wait_gather(b)

                    g2 = g + _AHEAD
                    b2 = (b + _AHEAD) % _NBUF

                    @pl.when(g2 < n_chunks)
                    def _():
                        issue_gather(g2, b2)

                    @pl.when(g >= _NCOMP)
                    def _():
                        wait_out(q)

                    @plsc.parallel_loop(0, _CHUNK, step=1, unroll=8)
                    def _(r):
                        for c in range(D // 16):
                            s = pl.ds(c * 16, 16)
                            comp_v[q, r, s] = rows_v[b, r, s] * scale

                    issue_out(g, q)
            return carry

        lax.fori_loop(0, n_outer, outer, 0)

        for q in range(_NCOMP):
            wait_out(q)

    return emb_kernel


def kernel(x, W):
    b, h = x.shape
    V, D = W.shape
    flat = x.reshape(b * h // _IDX_MINOR, _IDX_MINOR).astype(jnp.int32)
    w_pad = jnp.pad(W, ((0, 0), (0, 128 - D)))
    out = _make(b * h, V, 128, D)(flat, w_pad)
    return out.reshape(b, h, D)

# --- scband reference (transcript-rebuilt; emitter-appended) ---
"""Pipeline reference for scband-embedding-43662637531320 (READ-ONLY COPY).

The authoritative reference and input builder live on the scoring server;
editing this copy changes nothing except your own understanding.
"""

import jax, jax.numpy as jnp
import numpy as np
import math

VOCAB = 1000000
DIM_WORD = 64
BATCH = 4096
HIST = 200

def setup_inputs(seed: int = 0) -> dict:
    key = jax.random.key(seed)
    k_idx, k_w = jax.random.split(key)
    x = jax.random.randint(k_idx, (BATCH, HIST), 0, VOCAB, dtype=jnp.int64 if jax.config.jax_enable_x64 else jnp.int32)
    W = jax.random.normal(k_w, (VOCAB, DIM_WORD), dtype=jnp.float32)
    return {"x": x, "W": W}

def reference(x, W):
    # nn.Embedding lookup followed by scaling with sqrt(dim_word)
    emb = jnp.take(W, x, axis=0)
    return emb * math.sqrt(DIM_WORD)

if __name__ == "__main__":
    import jax
    _d = setup_inputs()
    print(jax.jit(kernel)(*tuple(_d.values())))

</pallas_src>

<mosaic_0001>
#map = affine_map<(d0, d1) -> (0, 0)>
module attributes {stable_mosaic.version = 14 : i64} {
  func.func @emb_kernel(%arg0: i32, %arg1: i32, %arg2: memref<6400x128xi32, #tpu.memory_space<hbm>>, %arg3: memref<1000000x128xf32, #tpu.memory_space<hbm>>, %arg4: memref<819200x64xf32, #tpu.memory_space<hbm>>, %arg5: memref<200x128xi32, #tpu.memory_space<vmem>>, %arg6: memref<4x128x128xf32, #tpu.memory_space<vmem>>, %arg7: memref<2x128x64xf32, #tpu.memory_space<vmem>>, %arg8: memref<4x!tpu.dma_semaphore, #tpu.memory_space<semaphore_mem>>, %arg9: memref<2x!tpu.dma_semaphore, #tpu.memory_space<semaphore_mem>>) attributes {dimension_semantics = [#tpu.dimension_semantics<core_parallel>, #tpu.dimension_semantics<subcore_parallel>], iteration_bounds = array<i64: 2, 16>, scalar_prefetch = 0 : i64, scratch_operands = 5 : i64, tpu.core_type = #tpu.core_type<sc_vector_subcore>, window_params = [{transform_indices = #map}, {transform_indices = #map}, {transform_indices = #map}]} {
    %mul3A = arith.constant 2 : i32
    %mul3A_0 = arith.muli %arg1, %mul3A : i32
    %add3A = arith.addi %mul3A_0, %arg0 : i32
    %mul3A_1 = arith.constant 200 : i32
    %mul3A_2 = arith.muli %add3A, %mul3A_1 : i32
    %mul3A_3 = arith.constant 25600 : i32
    %mul3A_4 = arith.muli %add3A, %mul3A_3 : i32
    "tpu.region"() ({
      %run_scoped3A = tpu.sem_alloc : memref<!tpu.dma_semaphore, #tpu.memory_space<semaphore_mem>>
      %dma_start3A_89 = arith.constant 0 : i32
      %dma_start3A_90 = tpu.memref_slice %arg2[%mul3A_2, %dma_start3A_89] : memref<6400x128xi32, #tpu.memory_space<hbm>> -> memref<200x128xi32, #tpu.memory_space<hbm>>
      %dma_start3A_91 = arith.constant 0 : i32
      %dma_start3A_92 = tpu.memref_slice %arg2[%mul3A_2, %dma_start3A_91] : memref<6400x128xi32, #tpu.memory_space<hbm>> -> memref<200x128xi32, #tpu.memory_space<hbm>>
      tpu.enqueue_dma source(%dma_start3A_92 : memref<200x128xi32, #tpu.memory_space<hbm>>) target(%arg5 : memref<200x128xi32, #tpu.memory_space<vmem>>) target_semaphore(%run_scoped3A : memref<!tpu.dma_semaphore, #tpu.memory_space<semaphore_mem>>)
      %dma_wait3A_93 = arith.constant 0 : i32
      %dma_wait3A_94 = tpu.memref_slice %arg2[%mul3A_2, %dma_wait3A_93] : memref<6400x128xi32, #tpu.memory_space<hbm>> -> memref<200x128xi32, #tpu.memory_space<hbm>>
      %dma_wait3A_95 = arith.constant 0 : i32
      %dma_wait3A_96 = tpu.memref_slice %arg2[%mul3A_2, %dma_wait3A_95] : memref<6400x128xi32, #tpu.memory_space<hbm>> -> memref<200x128xi32, #tpu.memory_space<hbm>>
      tpu.wait_dma2 semaphore(%run_scoped3A : memref<!tpu.dma_semaphore, #tpu.memory_space<semaphore_mem>>) src(%dma_wait3A_96 : memref<200x128xi32, #tpu.memory_space<hbm>>) dst(%arg5 : memref<200x128xi32, #tpu.memory_space<vmem>>)
      tpu.yield
    }) : () -> ()
    %dma_start3A = arith.constant 0 : i32
    %dma_start3A_5 = arith.constant 0 : i32
    %dma_start3A_6 = arith.constant 0 : i32
    %dma_start3A_7 = arith.constant 0 : i32
    %dma_start3A_8 = arith.constant 0 : i32
    %dma_start3A_9 = tpu.memref_slice %arg6[%dma_start3A_5, %dma_start3A_7, %dma_start3A_8] : memref<4x128x128xf32, #tpu.memory_space<vmem>> -> memref<1x128x128xf32, #tpu.memory_space<vmem>>
    %dma_start3A_10 = tpu.memref_squeeze %dma_start3A_9 : memref<1x128x128xf32, #tpu.memory_space<vmem>> -> memref<128x128xf32, #tpu.memory_space<vmem>>
    %dma_start3A_11 = arith.constant 0 : i32
    %dma_start3A_12 = tpu.memref_slice %arg5[%dma_start3A, %dma_start3A_11] : memref<200x128xi32, #tpu.memory_space<vmem>> -> memref<1x128xi32, #tpu.memory_space<vmem>>
    %dma_start3A_13 = tpu.memref_squeeze %dma_start3A_12 : memref<1x128xi32, #tpu.memory_space<vmem>> -> memref<128xi32, #tpu.memory_space<vmem>>
    %dma_start3A_14 = arith.constant 0 : i32
    %dma_start3A_15 = arith.constant 0 : i32
    %dma_start3A_16 = tpu.memref_slice %arg3[%dma_start3A_14, %dma_start3A_15] : memref<1000000x128xf32, #tpu.memory_space<hbm>> -> memref<1000000x128xf32, #tpu.memory_space<hbm>>
    %dma_start3A_17 = tpu.memref_slice %arg8[%dma_start3A_6] : memref<4x!tpu.dma_semaphore, #tpu.memory_space<semaphore_mem>> -> memref<1x!tpu.dma_semaphore, #tpu.memory_space<semaphore_mem>>
    %dma_start3A_18 = tpu.memref_squeeze %dma_start3A_17 : memref<1x!tpu.dma_semaphore, #tpu.memory_space<semaphore_mem>> -> memref<!tpu.dma_semaphore, #tpu.memory_space<semaphore_mem>>
    tpu.enqueue_indirect_dma source(%dma_start3A_16 : memref<1000000x128xf32, #tpu.memory_space<hbm>>) target(%dma_start3A_10 : memref<128x128xf32, #tpu.memory_space<vmem>>) offsets(%dma_start3A_13 : memref<128xi32, #tpu.memory_space<vmem>>) semaphore(%dma_start3A_18 : memref<!tpu.dma_semaphore, #tpu.memory_space<semaphore_mem>>)
    %dma_start3A_19 = arith.constant 1 : i32
    %dma_start3A_20 = arith.constant 1 : i32
    %dma_start3A_21 = arith.constant 1 : i32
    %dma_start3A_22 = arith.constant 0 : i32
    %dma_start3A_23 = arith.constant 0 : i32
    %dma_start3A_24 = tpu.memref_slice %arg6[%dma_start3A_20, %dma_start3A_22, %dma_start3A_23] : memref<4x128x128xf32, #tpu.memory_space<vmem>> -> memref<1x128x128xf32, #tpu.memory_space<vmem>>
    %dma_start3A_25 = tpu.memref_squeeze %dma_start3A_24 : memref<1x128x128xf32, #tpu.memory_space<vmem>> -> memref<128x128xf32, #tpu.memory_space<vmem>>
    %dma_start3A_26 = arith.constant 0 : i32
    %dma_start3A_27 = tpu.memref_slice %arg5[%dma_start3A_19, %dma_start3A_26] : memref<200x128xi32, #tpu.memory_space<vmem>> -> memref<1x128xi32, #tpu.memory_space<vmem>>
    %dma_start3A_28 = tpu.memref_squeeze %dma_start3A_27 : memref<1x128xi32, #tpu.memory_space<vmem>> -> memref<128xi32, #tpu.memory_space<vmem>>
    %dma_start3A_29 = arith.constant 0 : i32
    %dma_start3A_30 = arith.constant 0 : i32
    %dma_start3A_31 = tpu.memref_slice %arg3[%dma_start3A_29, %dma_start3A_30] : memref<1000000x128xf32, #tpu.memory_space<hbm>> -> memref<1000000x128xf32, #tpu.memory_space<hbm>>
    %dma_start3A_32 = tpu.memref_slice %arg8[%dma_start3A_21] : memref<4x!tpu.dma_semaphore, #tpu.memory_space<semaphore_mem>> -> memref<1x!tpu.dma_semaphore, #tpu.memory_space<semaphore_mem>>
    %dma_start3A_33 = tpu.memref_squeeze %dma_start3A_32 : memref<1x!tpu.dma_semaphore, #tpu.memory_space<semaphore_mem>> -> memref<!tpu.dma_semaphore, #tpu.memory_space<semaphore_mem>>
    tpu.enqueue_indirect_dma source(%dma_start3A_31 : memref<1000000x128xf32, #tpu.memory_space<hbm>>) target(%dma_start3A_25 : memref<128x128xf32, #tpu.memory_space<vmem>>) offsets(%dma_start3A_28 : memref<128xi32, #tpu.memory_space<vmem>>) semaphore(%dma_start3A_33 : memref<!tpu.dma_semaphore, #tpu.memory_space<semaphore_mem>>)
    %dma_start3A_34 = arith.constant 2 : i32
    %dma_start3A_35 = arith.constant 2 : i32
    %dma_start3A_36 = arith.constant 2 : i32
    %dma_start3A_37 = arith.constant 0 : i32
    %dma_start3A_38 = arith.constant 0 : i32
    %dma_start3A_39 = tpu.memref_slice %arg6[%dma_start3A_35, %dma_start3A_37, %dma_start3A_38] : memref<4x128x128xf32, #tpu.memory_space<vmem>> -> memref<1x128x128xf32, #tpu.memory_space<vmem>>
    %dma_start3A_40 = tpu.memref_squeeze %dma_start3A_39 : memref<1x128x128xf32, #tpu.memory_space<vmem>> -> memref<128x128xf32, #tpu.memory_space<vmem>>
    %dma_start3A_41 = arith.constant 0 : i32
    %dma_start3A_42 = tpu.memref_slice %arg5[%dma_start3A_34, %dma_start3A_41] : memref<200x128xi32, #tpu.memory_space<vmem>> -> memref<1x128xi32, #tpu.memory_space<vmem>>
    %dma_start3A_43 = tpu.memref_squeeze %dma_start3A_42 : memref<1x128xi32, #tpu.memory_space<vmem>> -> memref<128xi32, #tpu.memory_space<vmem>>
    %dma_start3A_44 = arith.constant 0 : i32
    %dma_start3A_45 = arith.constant 0 : i32
    %dma_start3A_46 = tpu.memref_slice %arg3[%dma_start3A_44, %dma_start3A_45] : memref<1000000x128xf32, #tpu.memory_space<hbm>> -> memref<1000000x128xf32, #tpu.memory_space<hbm>>
    %dma_start3A_47 = tpu.memref_slice %arg8[%dma_start3A_36] : memref<4x!tpu.dma_semaphore, #tpu.memory_space<semaphore_mem>> -> memref<1x!tpu.dma_semaphore, #tpu.memory_space<semaphore_mem>>
    %dma_start3A_48 = tpu.memref_squeeze %dma_start3A_47 : memref<1x!tpu.dma_semaphore, #tpu.memory_space<semaphore_mem>> -> memref<!tpu.dma_semaphore, #tpu.memory_space<semaphore_mem>>
    tpu.enqueue_indirect_dma source(%dma_start3A_46 : memref<1000000x128xf32, #tpu.memory_space<hbm>>) target(%dma_start3A_40 : memref<128x128xf32, #tpu.memory_space<vmem>>) offsets(%dma_start3A_43 : memref<128xi32, #tpu.memory_space<vmem>>) semaphore(%dma_start3A_48 : memref<!tpu.dma_semaphore, #tpu.memory_space<semaphore_mem>>)
    %scan3A = arith.constant 0 : i32
    %scan3A_49 = arith.constant 0 : i32
    %scan3A_50 = arith.constant 50 : i32
    %scan3A_51 = arith.addi %scan3A_49, %scan3A_50 : i32
    %scan3A_52 = arith.constant 1 : i32
    scf.for %scan3A_89 = %scan3A_49 to %scan3A_51 step %scan3A_52  : i32 {
      %mul3A_90 = arith.constant 4 : i32
      %mul3A_91 = arith.muli %scan3A_89, %mul3A_90 : i32
      %add3A_92 = arith.constant 0 : i32
      %add3A_93 = arith.addi %mul3A_91, %add3A_92 : i32
      %lt3A = arith.constant 200 : i32
      %lt3A_94 = arith.cmpi slt, %add3A_93, %lt3A : i32
      %convert_element_type3A = arith.extui %lt3A_94 : i1 to i32
      %cond3A = arith.constant 0 : i32
      %cond3A_95 = arith.cmpi ne, %convert_element_type3A, %cond3A : i32
      scf.if %cond3A_95 {
        %dma_wait3A_123 = arith.constant 0 : i32
        %dma_wait3A_124 = arith.constant 0 : i32
        %dma_wait3A_125 = arith.constant 0 : i32
        %dma_wait3A_126 = arith.constant 0 : i32
        %dma_wait3A_127 = tpu.memref_slice %arg6[%dma_wait3A_123, %dma_wait3A_125, %dma_wait3A_126] : memref<4x128x128xf32, #tpu.memory_space<vmem>> -> memref<1x128x128xf32, #tpu.memory_space<vmem>>
        %dma_wait3A_128 = tpu.memref_squeeze %dma_wait3A_127 : memref<1x128x128xf32, #tpu.memory_space<vmem>> -> memref<128x128xf32, #tpu.memory_space<vmem>>
        %dma_wait3A_129 = arith.constant 0 : i32
        %dma_wait3A_130 = arith.constant 0 : i32
        %dma_wait3A_131 = tpu.memref_slice %arg3[%dma_wait3A_129, %dma_wait3A_130] : memref<1000000x128xf32, #tpu.memory_space<hbm>> -> memref<128x128xf32, #tpu.memory_space<hbm>>
        %dma_wait3A_132 = tpu.memref_slice %arg8[%dma_wait3A_124] : memref<4x!tpu.dma_semaphore, #tpu.memory_space<semaphore_mem>> -> memref<1x!tpu.dma_semaphore, #tpu.memory_space<semaphore_mem>>
        %dma_wait3A_133 = tpu.memref_squeeze %dma_wait3A_132 : memref<1x!tpu.dma_semaphore, #tpu.memory_space<semaphore_mem>> -> memref<!tpu.dma_semaphore, #tpu.memory_space<semaphore_mem>>
        %dma_wait3A_134 = arith.constant 0 : i32
        %dma_wait3A_135 = arith.constant 0 : i32
        %dma_wait3A_136 = tpu.memref_slice %arg6[%dma_wait3A_123, %dma_wait3A_134, %dma_wait3A_135] : memref<4x128x128xf32, #tpu.memory_space<vmem>> -> memref<1x128x128xf32, #tpu.memory_space<vmem>>
        %dma_wait3A_137 = tpu.memref_squeeze %dma_wait3A_136 : memref<1x128x128xf32, #tpu.memory_space<vmem>> -> memref<128x128xf32, #tpu.memory_space<vmem>>
        %dma_wait3A_138 = arith.constant 0 : i32
        %dma_wait3A_139 = arith.constant 0 : i32
        %dma_wait3A_140 = tpu.memref_slice %arg3[%dma_wait3A_138, %dma_wait3A_139] : memref<1000000x128xf32, #tpu.memory_space<hbm>> -> memref<128x128xf32, #tpu.memory_space<hbm>>
        tpu.wait_dma2 semaphore(%dma_wait3A_133 : memref<!tpu.dma_semaphore, #tpu.memory_space<semaphore_mem>>) src(%dma_wait3A_140 : memref<128x128xf32, #tpu.memory_space<hbm>>) dst(%dma_wait3A_137 : memref<128x128xf32, #tpu.memory_space<vmem>>)
        %add3A_141 = arith.constant 3 : i32
        %add3A_142 = arith.addi %add3A_93, %add3A_141 : i32
        %lt3A_143 = arith.constant 200 : i32
        %lt3A_144 = arith.cmpi slt, %add3A_142, %lt3A_143 : i32
        %convert_element_type3A_145 = arith.extui %lt3A_144 : i1 to i32
        %cond3A_146 = arith.constant 0 : i32
        %cond3A_147 = arith.cmpi ne, %convert_element_type3A_145, %cond3A_146 : i32
        scf.if %cond3A_147 {
          %dma_start3A_173 = arith.constant 3 : i32
          %dma_start3A_174 = arith.constant 3 : i32
          %dma_start3A_175 = arith.constant 0 : i32
          %dma_start3A_176 = arith.constant 0 : i32
          %dma_start3A_177 = tpu.memref_slice %arg6[%dma_start3A_173, %dma_start3A_175, %dma_start3A_176] : memref<4x128x128xf32, #tpu.memory_space<vmem>> -> memref<1x128x128xf32, #tpu.memory_space<vmem>>
          %dma_start3A_178 = tpu.memref_squeeze %dma_start3A_177 : memref<1x128x128xf32, #tpu.memory_space<vmem>> -> memref<128x128xf32, #tpu.memory_space<vmem>>
          %dma_start3A_179 = arith.constant 0 : i32
          %dma_start3A_180 = tpu.memref_slice %arg5[%add3A_142, %dma_start3A_179] : memref<200x128xi32, #tpu.memory_space<vmem>> -> memref<1x128xi32, #tpu.memory_space<vmem>>
          %dma_start3A_181 = tpu.memref_squeeze %dma_start3A_180 : memref<1x128xi32, #tpu.memory_space<vmem>> -> memref<128xi32, #tpu.memory_space<vmem>>
          %dma_start3A_182 = arith.constant 0 : i32
          %dma_start3A_183 = arith.constant 0 : i32
          %dma_start3A_184 = tpu.memref_slice %arg3[%dma_start3A_182, %dma_start3A_183] : memref<1000000x128xf32, #tpu.memory_space<hbm>> -> memref<1000000x128xf32, #tpu.memory_space<hbm>>
          %dma_start3A_185 = tpu.memref_slice %arg8[%dma_start3A_174] : memref<4x!tpu.dma_semaphore, #tpu.memory_space<semaphore_mem>> -> memref<1x!tpu.dma_semaphore, #tpu.memory_space<semaphore_mem>>
          %dma_start3A_186 = tpu.memref_squeeze %dma_start3A_185 : memref<1x!tpu.dma_semaphore, #tpu.memory_space<semaphore_mem>> -> memref<!tpu.dma_semaphore, #tpu.memory_space<semaphore_mem>>
          tpu.enqueue_indirect_dma source(%dma_start3A_184 : memref<1000000x128xf32, #tpu.memory_space<hbm>>) target(%dma_start3A_178 : memref<128x128xf32, #tpu.memory_space<vmem>>) offsets(%dma_start3A_181 : memref<128xi32, #tpu.memory_space<vmem>>) semaphore(%dma_start3A_186 : memref<!tpu.dma_semaphore, #tpu.memory_space<semaphore_mem>>)
        } else {
        }
        %ge3A = arith.constant 2 : i32
        %ge3A_148 = arith.cmpi sge, %add3A_93, %ge3A : i32
        %convert_element_type3A_149 = arith.extui %ge3A_148 : i1 to i32
        %cond3A_150 = arith.constant 0 : i32
        %cond3A_151 = arith.cmpi ne, %convert_element_type3A_149, %cond3A_150 : i32
        scf.if %cond3A_151 {
          %dma_wait3A_173 = arith.constant 0 : i32
          %dma_wait3A_174 = arith.constant 0 : i32
          %dma_wait3A_175 = arith.constant 0 : i32
          %dma_wait3A_176 = arith.constant 0 : i32
          %dma_wait3A_177 = tpu.memref_slice %arg7[%dma_wait3A_173, %dma_wait3A_175, %dma_wait3A_176] : memref<2x128x64xf32, #tpu.memory_space<vmem>> -> memref<1x128x64xf32, #tpu.memory_space<vmem>>
          %dma_wait3A_178 = tpu.memref_squeeze %dma_wait3A_177 : memref<1x128x64xf32, #tpu.memory_space<vmem>> -> memref<128x64xf32, #tpu.memory_space<vmem>>
          %dma_wait3A_179 = arith.constant 0 : i32
          %dma_wait3A_180 = arith.constant 0 : i32
          %dma_wait3A_181 = tpu.memref_slice %arg4[%dma_wait3A_179, %dma_wait3A_180] : memref<819200x64xf32, #tpu.memory_space<hbm>> -> memref<128x64xf32, #tpu.memory_space<hbm>>
          %dma_wait3A_182 = tpu.memref_slice %arg9[%dma_wait3A_174] : memref<2x!tpu.dma_semaphore, #tpu.memory_space<semaphore_mem>> -> memref<1x!tpu.dma_semaphore, #tpu.memory_space<semaphore_mem>>
          %dma_wait3A_183 = tpu.memref_squeeze %dma_wait3A_182 : memref<1x!tpu.dma_semaphore, #tpu.memory_space<semaphore_mem>> -> memref<!tpu.dma_semaphore, #tpu.memory_space<semaphore_mem>>
          %dma_wait3A_184 = arith.constant 0 : i32
          %dma_wait3A_185 = arith.constant 0 : i32
          %dma_wait3A_186 = tpu.memref_slice %arg4[%dma_wait3A_184, %dma_wait3A_185] : memref<819200x64xf32, #tpu.memory_space<hbm>> -> memref<128x64xf32, #tpu.memory_space<hbm>>
          %dma_wait3A_187 = arith.constant 0 : i32
          %dma_wait3A_188 = arith.constant 0 : i32
          %dma_wait3A_189 = tpu.memref_slice %arg7[%dma_wait3A_173, %dma_wait3A_187, %dma_wait3A_188] : memref<2x128x64xf32, #tpu.memory_space<vmem>> -> memref<1x128x64xf32, #tpu.memory_space<vmem>>
          %dma_wait3A_190 = tpu.memref_squeeze %dma_wait3A_189 : memref<1x128x64xf32, #tpu.memory_space<vmem>> -> memref<128x64xf32, #tpu.memory_space<vmem>>
          tpu.wait_dma2 semaphore(%dma_wait3A_183 : memref<!tpu.dma_semaphore, #tpu.memory_space<semaphore_mem>>) src(%dma_wait3A_190 : memref<128x64xf32, #tpu.memory_space<vmem>>) dst(%dma_wait3A_186 : memref<128x64xf32, #tpu.memory_space<hbm>>)
        } else {
        }
        %parallel_loop3A = arith.constant 0 : i32
        %parallel_loop3A_152 = arith.constant 128 : i32
        %parallel_loop3A_153 = arith.constant 1 : i32
        scf.for %parallel_loop3A_173 = %parallel_loop3A to %parallel_loop3A_152 step %parallel_loop3A_153  : i32 {
          %parallel_loop3A_174 = arith.constant 0 : i32
          %parallel_loop3A_175 = arith.index_cast %parallel_loop3A_174 : i32 to index
          %parallel_loop3A_176 = arith.index_cast %parallel_loop3A_173 : i32 to index
          %parallel_loop3A_177 = arith.constant 0 : index
          %parallel_loop3A_178 = tpu.vector_load %arg6[%parallel_loop3A_175, %parallel_loop3A_176, %parallel_loop3A_177] {strides = array<i32>} : memref<4x128x128xf32, #tpu.memory_space<vmem>>, vector<1x1x16xf32>,
          %parallel_loop3A_179 = vector.shape_cast %parallel_loop3A_178 : vector<1x1x16xf32> to vector<16xf32>
          %parallel_loop3A_180 = arith.constant 8.000000e+00 : f32
          %parallel_loop3A_181 = vector.broadcast %parallel_loop3A_180 : f32 to vector<16xf32>
          %parallel_loop3A_182 = arith.mulf %parallel_loop3A_179, %parallel_loop3A_181 : vector<16xf32>
          %parallel_loop3A_183 = arith.constant 0 : i32
          %parallel_loop3A_184 = arith.index_cast %parallel_loop3A_183 : i32 to index
          %parallel_loop3A_185 = arith.index_cast %parallel_loop3A_173 : i32 to index
          %parallel_loop3A_186 = arith.constant 0 : index
          %parallel_loop3A_187 = tpu.vector_load %arg7[%parallel_loop3A_184, %parallel_loop3A_185, %parallel_loop3A_186] {strides = array<i32>} : memref<2x128x64xf32, #tpu.memory_space<vmem>>, vector<1x1x16xf32>,
          %parallel_loop3A_188 = vector.shape_cast %parallel_loop3A_187 : vector<1x1x16xf32> to vector<16xf32>
          %parallel_loop3A_189 = vector.shape_cast %parallel_loop3A_182 : vector<16xf32> to vector<1x1x16xf32>
          tpu.vector_store %arg7[%parallel_loop3A_184, %parallel_loop3A_185, %parallel_loop3A_186], %parallel_loop3A_189 {strides = array<i32>} : memref<2x128x64xf32, #tpu.memory_space<vmem>>, vector<1x1x16xf32>,
          %parallel_loop3A_190 = arith.constant 0 : i32
          %parallel_loop3A_191 = arith.index_cast %parallel_loop3A_190 : i32 to index
          %parallel_loop3A_192 = arith.index_cast %parallel_loop3A_173 : i32 to index
          %parallel_loop3A_193 = arith.constant 16 : index
          %parallel_loop3A_194 = tpu.vector_load %arg6[%parallel_loop3A_191, %parallel_loop3A_192, %parallel_loop3A_193] {strides = array<i32>} : memref<4x128x128xf32, #tpu.memory_space<vmem>>, vector<1x1x16xf32>,
          %parallel_loop3A_195 = vector.shape_cast %parallel_loop3A_194 : vector<1x1x16xf32> to vector<16xf32>
          %parallel_loop3A_196 = arith.constant 8.000000e+00 : f32
          %parallel_loop3A_197 = vector.broadcast %parallel_loop3A_196 : f32 to vector<16xf32>
          %parallel_loop3A_198 = arith.mulf %parallel_loop3A_195, %parallel_loop3A_197 : vector<16xf32>
          %parallel_loop3A_199 = arith.constant 0 : i32
          %parallel_loop3A_200 = arith.index_cast %parallel_loop3A_199 : i32 to index
          %parallel_loop3A_201 = arith.index_cast %parallel_loop3A_173 : i32 to index
          %parallel_loop3A_202 = arith.constant 16 : index
          %parallel_loop3A_203 = tpu.vector_load %arg7[%parallel_loop3A_200, %parallel_loop3A_201, %parallel_loop3A_202] {strides = array<i32>} : memref<2x128x64xf32, #tpu.memory_space<vmem>>, vector<1x1x16xf32>,
          %parallel_loop3A_204 = vector.shape_cast %parallel_loop3A_203 : vector<1x1x16xf32> to vector<16xf32>
          %parallel_loop3A_205 = vector.shape_cast %parallel_loop3A_198 : vector<16xf32> to vector<1x1x16xf32>
          tpu.vector_store %arg7[%parallel_loop3A_200, %parallel_loop3A_201, %parallel_loop3A_202], %parallel_loop3A_205 {strides = array<i32>} : memref<2x128x64xf32, #tpu.memory_space<vmem>>, vector<1x1x16xf32>,
          %parallel_loop3A_206 = arith.constant 0 : i32
          %parallel_loop3A_207 = arith.index_cast %parallel_loop3A_206 : i32 to index
          %parallel_loop3A_208 = arith.index_cast %parallel_loop3A_173 : i32 to index
          %parallel_loop3A_209 = arith.constant 32 : index
          %parallel_loop3A_210 = tpu.vector_load %arg6[%parallel_loop3A_207, %parallel_loop3A_208, %parallel_loop3A_209] {strides = array<i32>} : memref<4x128x128xf32, #tpu.memory_space<vmem>>, vector<1x1x16xf32>,
          %parallel_loop3A_211 = vector.shape_cast %parallel_loop3A_210 : vector<1x1x16xf32> to vector<16xf32>
          %parallel_loop3A_212 = arith.constant 8.000000e+00 : f32
          %parallel_loop3A_213 = vector.broadcast %parallel_loop3A_212 : f32 to vector<16xf32>
          %parallel_loop3A_214 = arith.mulf %parallel_loop3A_211, %parallel_loop3A_213 : vector<16xf32>
          %parallel_loop3A_215 = arith.constant 0 : i32
          %parallel_loop3A_216 = arith.index_cast %parallel_loop3A_215 : i32 to index
          %parallel_loop3A_217 = arith.index_cast %parallel_loop3A_173 : i32 to index
          %parallel_loop3A_218 = arith.constant 32 : index
          %parallel_loop3A_219 = tpu.vector_load %arg7[%parallel_loop3A_216, %parallel_loop3A_217, %parallel_loop3A_218] {strides = array<i32>} : memref<2x128x64xf32, #tpu.memory_space<vmem>>, vector<1x1x16xf32>,
          %parallel_loop3A_220 = vector.shape_cast %parallel_loop3A_219 : vector<1x1x16xf32> to vector<16xf32>
          %parallel_loop3A_221 = vector.shape_cast %parallel_loop3A_214 : vector<16xf32> to vector<1x1x16xf32>
          tpu.vector_store %arg7[%parallel_loop3A_216, %parallel_loop3A_217, %parallel_loop3A_218], %parallel_loop3A_221 {strides = array<i32>} : memref<2x128x64xf32, #tpu.memory_space<vmem>>, vector<1x1x16xf32>,
          %parallel_loop3A_222 = arith.constant 0 : i32
          %parallel_loop3A_223 = arith.index_cast %parallel_loop3A_222 : i32 to index
          %parallel_loop3A_224 = arith.index_cast %parallel_loop3A_173 : i32 to index
          %parallel_loop3A_225 = arith.constant 48 : index
          %parallel_loop3A_226 = tpu.vector_load %arg6[%parallel_loop3A_223, %parallel_loop3A_224, %parallel_loop3A_225] {strides = array<i32>} : memref<4x128x128xf32, #tpu.memory_space<vmem>>, vector<1x1x16xf32>,
          %parallel_loop3A_227 = vector.shape_cast %parallel_loop3A_226 : vector<1x1x16xf32> to vector<16xf32>
          %parallel_loop3A_228 = arith.constant 8.000000e+00 : f32
          %parallel_loop3A_229 = vector.broadcast %parallel_loop3A_228 : f32 to vector<16xf32>
          %parallel_loop3A_230 = arith.mulf %parallel_loop3A_227, %parallel_loop3A_229 : vector<16xf32>
          %parallel_loop3A_231 = arith.constant 0 : i32
          %parallel_loop3A_232 = arith.index_cast %parallel_loop3A_231 : i32 to index
          %parallel_loop3A_233 = arith.index_cast %parallel_loop3A_173 : i32 to index
          %parallel_loop3A_234 = arith.constant 48 : index
          %parallel_loop3A_235 = tpu.vector_load %arg7[%parallel_loop3A_232, %parallel_loop3A_233, %parallel_loop3A_234] {strides = array<i32>} : memref<2x128x64xf32, #tpu.memory_space<vmem>>, vector<1x1x16xf32>,
          %parallel_loop3A_236 = vector.shape_cast %parallel_loop3A_235 : vector<1x1x16xf32> to vector<16xf32>
          %parallel_loop3A_237 = vector.shape_cast %parallel_loop3A_230 : vector<16xf32> to vector<1x1x16xf32>
          tpu.vector_store %arg7[%parallel_loop3A_232, %parallel_loop3A_233, %parallel_loop3A_234], %parallel_loop3A_237 {strides = array<i32>} : memref<2x128x64xf32, #tpu.memory_space<vmem>>, vector<1x1x16xf32>,
        } {sc.loop_unroll_factor = 8 : i64, sc.parallel_access}
        %mul3A_154 = arith.constant 128 : i32
        %mul3A_155 = arith.muli %add3A_93, %mul3A_154 : i32
        %add3A_156 = arith.addi %mul3A_4, %mul3A_155 : i32
        %dma_start3A_157 = arith.constant 0 : i32
        %dma_start3A_158 = arith.constant 0 : i32
        %dma_start3A_159 = arith.constant 0 : i32
        %dma_start3A_160 = arith.constant 0 : i32
        %dma_start3A_161 = tpu.memref_slice %arg7[%dma_start3A_157, %dma_start3A_159, %dma_start3A_160] : memref<2x128x64xf32, #tpu.memory_space<vmem>> -> memref<1x128x64xf32, #tpu.memory_space<vmem>>
        %dma_start3A_162 = tpu.memref_squeeze %dma_start3A_161 : memref<1x128x64xf32, #tpu.memory_space<vmem>> -> memref<128x64xf32, #tpu.memory_space<vmem>>
        %dma_start3A_163 = arith.constant 0 : i32
        %dma_start3A_164 = tpu.memref_slice %arg4[%add3A_156, %dma_start3A_163] : memref<819200x64xf32, #tpu.memory_space<hbm>> -> memref<128x64xf32, #tpu.memory_space<hbm>>
        %dma_start3A_165 = tpu.memref_slice %arg9[%dma_start3A_158] : memref<2x!tpu.dma_semaphore, #tpu.memory_space<semaphore_mem>> -> memref<1x!tpu.dma_semaphore, #tpu.memory_space<semaphore_mem>>
        %dma_start3A_166 = tpu.memref_squeeze %dma_start3A_165 : memref<1x!tpu.dma_semaphore, #tpu.memory_space<semaphore_mem>> -> memref<!tpu.dma_semaphore, #tpu.memory_space<semaphore_mem>>
        %dma_start3A_167 = arith.constant 0 : i32
        %dma_start3A_168 = tpu.memref_slice %arg4[%add3A_156, %dma_start3A_167] : memref<819200x64xf32, #tpu.memory_space<hbm>> -> memref<128x64xf32, #tpu.memory_space<hbm>>
        %dma_start3A_169 = arith.constant 0 : i32
        %dma_start3A_170 = arith.constant 0 : i32
        %dma_start3A_171 = tpu.memref_slice %arg7[%dma_start3A_157, %dma_start3A_169, %dma_start3A_170] : memref<2x128x64xf32, #tpu.memory_space<vmem>> -> memref<1x128x64xf32, #tpu.memory_space<vmem>>
        %dma_start3A_172 = tpu.memref_squeeze %dma_start3A_171 : memref<1x128x64xf32, #tpu.memory_space<vmem>> -> memref<128x64xf32, #tpu.memory_space<vmem>>
        tpu.enqueue_dma source(%dma_start3A_172 : memref<128x64xf32, #tpu.memory_space<vmem>>) target(%dma_start3A_168 : memref<128x64xf32, #tpu.memory_space<hbm>>) target_semaphore(%dma_start3A_166 : memref<!tpu.dma_semaphore, #tpu.memory_space<semaphore_mem>>)
      } else {
      }
      %mul3A_96 = arith.constant 4 : i32
      %mul3A_97 = arith.muli %scan3A_89, %mul3A_96 : i32
      %add3A_98 = arith.constant 1 : i32
      %add3A_99 = arith.addi %mul3A_97, %add3A_98 : i32
      %lt3A_100 = arith.constant 200 : i32
      %lt3A_101 = arith.cmpi slt, %add3A_99, %lt3A_100 : i32
      %convert_element_type3A_102 = arith.extui %lt3A_101 : i1 to i32
      %cond3A_103 = arith.constant 0 : i32
      %cond3A_104 = arith.cmpi ne, %convert_element_type3A_102, %cond3A_103 : i32
      scf.if %cond3A_104 {
        %dma_wait3A_123 = arith.constant 1 : i32
        %dma_wait3A_124 = arith.constant 1 : i32
        %dma_wait3A_125 = arith.constant 0 : i32
        %dma_wait3A_126 = arith.constant 0 : i32
        %dma_wait3A_127 = tpu.memref_slice %arg6[%dma_wait3A_123, %dma_wait3A_125, %dma_wait3A_126] : memref<4x128x128xf32, #tpu.memory_space<vmem>> -> memref<1x128x128xf32, #tpu.memory_space<vmem>>
        %dma_wait3A_128 = tpu.memref_squeeze %dma_wait3A_127 : memref<1x128x128xf32, #tpu.memory_space<vmem>> -> memref<128x128xf32, #tpu.memory_space<vmem>>
        %dma_wait3A_129 = arith.constant 0 : i32
        %dma_wait3A_130 = arith.constant 0 : i32
        %dma_wait3A_131 = tpu.memref_slice %arg3[%dma_wait3A_129, %dma_wait3A_130] : memref<1000000x128xf32, #tpu.memory_space<hbm>> -> memref<128x128xf32, #tpu.memory_space<hbm>>
        %dma_wait3A_132 = tpu.memref_slice %arg8[%dma_wait3A_124] : memref<4x!tpu.dma_semaphore, #tpu.memory_space<semaphore_mem>> -> memref<1x!tpu.dma_semaphore, #tpu.memory_space<semaphore_mem>>
        %dma_wait3A_133 = tpu.memref_squeeze %dma_wait3A_132 : memref<1x!tpu.dma_semaphore, #tpu.memory_space<semaphore_mem>> -> memref<!tpu.dma_semaphore, #tpu.memory_space<semaphore_mem>>
        %dma_wait3A_134 = arith.constant 0 : i32
        %dma_wait3A_135 = arith.constant 0 : i32
        %dma_wait3A_136 = tpu.memref_slice %arg6[%dma_wait3A_123, %dma_wait3A_134, %dma_wait3A_135] : memref<4x128x128xf32, #tpu.memory_space<vmem>> -> memref<1x128x128xf32, #tpu.memory_space<vmem>>
        %dma_wait3A_137 = tpu.memref_squeeze %dma_wait3A_136 : memref<1x128x128xf32, #tpu.memory_space<vmem>> -> memref<128x128xf32, #tpu.memory_space<vmem>>
        %dma_wait3A_138 = arith.constant 0 : i32
        %dma_wait3A_139 = arith.constant 0 : i32
        %dma_wait3A_140 = tpu.memref_slice %arg3[%dma_wait3A_138, %dma_wait3A_139] : memref<1000000x128xf32, #tpu.memory_space<hbm>> -> memref<128x128xf32, #tpu.memory_space<hbm>>
        tpu.wait_dma2 semaphore(%dma_wait3A_133 : memref<!tpu.dma_semaphore, #tpu.memory_space<semaphore_mem>>) src(%dma_wait3A_140 : memref<128x128xf32, #tpu.memory_space<hbm>>) dst(%dma_wait3A_137 : memref<128x128xf32, #tpu.memory_space<vmem>>)
        %add3A_141 = arith.constant 3 : i32
        %add3A_142 = arith.addi %add3A_99, %add3A_141 : i32
        %lt3A_143 = arith.constant 200 : i32
        %lt3A_144 = arith.cmpi slt, %add3A_142, %lt3A_143 : i32
        %convert_element_type3A_145 = arith.extui %lt3A_144 : i1 to i32
        %cond3A_146 = arith.constant 0 : i32
        %cond3A_147 = arith.cmpi ne, %convert_element_type3A_145, %cond3A_146 : i32
        scf.if %cond3A_147 {
          %dma_start3A_173 = arith.constant 0 : i32
          %dma_start3A_174 = arith.constant 0 : i32
          %dma_start3A_175 = arith.constant 0 : i32
          %dma_start3A_176 = arith.constant 0 : i32
          %dma_start3A_177 = tpu.memref_slice %arg6[%dma_start3A_173, %dma_start3A_175, %dma_start3A_176] : memref<4x128x128xf32, #tpu.memory_space<vmem>> -> memref<1x128x128xf32, #tpu.memory_space<vmem>>
          %dma_start3A_178 = tpu.memref_squeeze %dma_start3A_177 : memref<1x128x128xf32, #tpu.memory_space<vmem>> -> memref<128x128xf32, #tpu.memory_space<vmem>>
          %dma_start3A_179 = arith.constant 0 : i32
          %dma_start3A_180 = tpu.memref_slice %arg5[%add3A_142, %dma_start3A_179] : memref<200x128xi32, #tpu.memory_space<vmem>> -> memref<1x128xi32, #tpu.memory_space<vmem>>
          %dma_start3A_181 = tpu.memref_squeeze %dma_start3A_180 : memref<1x128xi32, #tpu.memory_space<vmem>> -> memref<128xi32, #tpu.memory_space<vmem>>
          %dma_start3A_182 = arith.constant 0 : i32
          %dma_start3A_183 = arith.constant 0 : i32
          %dma_start3A_184 = tpu.memref_slice %arg3[%dma_start3A_182, %dma_start3A_183] : memref<1000000x128xf32, #tpu.memory_space<hbm>> -> memref<1000000x128xf32, #tpu.memory_space<hbm>>
          %dma_start3A_185 = tpu.memref_slice %arg8[%dma_start3A_174] : memref<4x!tpu.dma_semaphore, #tpu.memory_space<semaphore_mem>> -> memref<1x!tpu.dma_semaphore, #tpu.memory_space<semaphore_mem>>
          %dma_start3A_186 = tpu.memref_squeeze %dma_start3A_185 : memref<1x!tpu.dma_semaphore, #tpu.memory_space<semaphore_mem>> -> memref<!tpu.dma_semaphore, #tpu.memory_space<semaphore_mem>>
          tpu.enqueue_indirect_dma source(%dma_start3A_184 : memref<1000000x128xf32, #tpu.memory_space<hbm>>) target(%dma_start3A_178 : memref<128x128xf32, #tpu.memory_space<vmem>>) offsets(%dma_start3A_181 : memref<128xi32, #tpu.memory_space<vmem>>) semaphore(%dma_start3A_186 : memref<!tpu.dma_semaphore, #tpu.memory_space<semaphore_mem>>)
        } else {
        }
        %ge3A = arith.constant 2 : i32
        %ge3A_148 = arith.cmpi sge, %add3A_99, %ge3A : i32
        %convert_element_type3A_149 = arith.extui %ge3A_148 : i1 to i32
        %cond3A_150 = arith.constant 0 : i32
        %cond3A_151 = arith.cmpi ne, %convert_element_type3A_149, %cond3A_150 : i32
        scf.if %cond3A_151 {
          %dma_wait3A_173 = arith.constant 1 : i32
          %dma_wait3A_174 = arith.constant 1 : i32
          %dma_wait3A_175 = arith.constant 0 : i32
          %dma_wait3A_176 = arith.constant 0 : i32
          %dma_wait3A_177 = tpu.memref_slice %arg7[%dma_wait3A_173, %dma_wait3A_175, %dma_wait3A_176] : memref<2x128x64xf32, #tpu.memory_space<vmem>> -> memref<1x128x64xf32, #tpu.memory_space<vmem>>
          %dma_wait3A_178 = tpu.memref_squeeze %dma_wait3A_177 : memref<1x128x64xf32, #tpu.memory_space<vmem>> -> memref<128x64xf32, #tpu.memory_space<vmem>>
          %dma_wait3A_179 = arith.constant 0 : i32
          %dma_wait3A_180 = arith.constant 0 : i32
          %dma_wait3A_181 = tpu.memref_slice %arg4[%dma_wait3A_179, %dma_wait3A_180] : memref<819200x64xf32, #tpu.memory_space<hbm>> -> memref<128x64xf32, #tpu.memory_space<hbm>>
          %dma_wait3A_182 = tpu.memref_slice %arg9[%dma_wait3A_174] : memref<2x!tpu.dma_semaphore, #tpu.memory_space<semaphore_mem>> -> memref<1x!tpu.dma_semaphore, #tpu.memory_space<semaphore_mem>>
          %dma_wait3A_183 = tpu.memref_squeeze %dma_wait3A_182 : memref<1x!tpu.dma_semaphore, #tpu.memory_space<semaphore_mem>> -> memref<!tpu.dma_semaphore, #tpu.memory_space<semaphore_mem>>
          %dma_wait3A_184 = arith.constant 0 : i32
          %dma_wait3A_185 = arith.constant 0 : i32
          %dma_wait3A_186 = tpu.memref_slice %arg4[%dma_wait3A_184, %dma_wait3A_185] : memref<819200x64xf32, #tpu.memory_space<hbm>> -> memref<128x64xf32, #tpu.memory_space<hbm>>
          %dma_wait3A_187 = arith.constant 0 : i32
          %dma_wait3A_188 = arith.constant 0 : i32
          %dma_wait3A_189 = tpu.memref_slice %arg7[%dma_wait3A_173, %dma_wait3A_187, %dma_wait3A_188] : memref<2x128x64xf32, #tpu.memory_space<vmem>> -> memref<1x128x64xf32, #tpu.memory_space<vmem>>
          %dma_wait3A_190 = tpu.memref_squeeze %dma_wait3A_189 : memref<1x128x64xf32, #tpu.memory_space<vmem>> -> memref<128x64xf32, #tpu.memory_space<vmem>>
          tpu.wait_dma2 semaphore(%dma_wait3A_183 : memref<!tpu.dma_semaphore, #tpu.memory_space<semaphore_mem>>) src(%dma_wait3A_190 : memref<128x64xf32, #tpu.memory_space<vmem>>) dst(%dma_wait3A_186 : memref<128x64xf32, #tpu.memory_space<hbm>>)
        } else {
        }
        %parallel_loop3A = arith.constant 0 : i32
        %parallel_loop3A_152 = arith.constant 128 : i32
        %parallel_loop3A_153 = arith.constant 1 : i32
        scf.for %parallel_loop3A_173 = %parallel_loop3A to %parallel_loop3A_152 step %parallel_loop3A_153  : i32 {
          %parallel_loop3A_174 = arith.constant 1 : i32
          %parallel_loop3A_175 = arith.index_cast %parallel_loop3A_174 : i32 to index
          %parallel_loop3A_176 = arith.index_cast %parallel_loop3A_173 : i32 to index
          %parallel_loop3A_177 = arith.constant 0 : index
          %parallel_loop3A_178 = tpu.vector_load %arg6[%parallel_loop3A_175, %parallel_loop3A_176, %parallel_loop3A_177] {strides = array<i32>} : memref<4x128x128xf32, #tpu.memory_space<vmem>>, vector<1x1x16xf32>,
          %parallel_loop3A_179 = vector.shape_cast %parallel_loop3A_178 : vector<1x1x16xf32> to vector<16xf32>
          %parallel_loop3A_180 = arith.constant 8.000000e+00 : f32
          %parallel_loop3A_181 = vector.broadcast %parallel_loop3A_180 : f32 to vector<16xf32>
          %parallel_loop3A_182 = arith.mulf %parallel_loop3A_179, %parallel_loop3A_181 : vector<16xf32>
          %parallel_loop3A_183 = arith.constant 1 : i32
          %parallel_loop3A_184 = arith.index_cast %parallel_loop3A_183 : i32 to index
          %parallel_loop3A_185 = arith.index_cast %parallel_loop3A_173 : i32 to index
          %parallel_loop3A_186 = arith.constant 0 : index
          %parallel_loop3A_187 = tpu.vector_load %arg7[%parallel_loop3A_184, %parallel_loop3A_185, %parallel_loop3A_186] {strides = array<i32>} : memref<2x128x64xf32, #tpu.memory_space<vmem>>, vector<1x1x16xf32>,
          %parallel_loop3A_188 = vector.shape_cast %parallel_loop3A_187 : vector<1x1x16xf32> to vector<16xf32>
          %parallel_loop3A_189 = vector.shape_cast %parallel_loop3A_182 : vector<16xf32> to vector<1x1x16xf32>
          tpu.vector_store %arg7[%parallel_loop3A_184, %parallel_loop3A_185, %parallel_loop3A_186], %parallel_loop3A_189 {strides = array<i32>} : memref<2x128x64xf32, #tpu.memory_space<vmem>>, vector<1x1x16xf32>,
          %parallel_loop3A_190 = arith.constant 1 : i32
          %parallel_loop3A_191 = arith.index_cast %parallel_loop3A_190 : i32 to index
          %parallel_loop3A_192 = arith.index_cast %parallel_loop3A_173 : i32 to index
          %parallel_loop3A_193 = arith.constant 16 : index
          %parallel_loop3A_194 = tpu.vector_load %arg6[%parallel_loop3A_191, %parallel_loop3A_192, %parallel_loop3A_193] {strides = array<i32>} : memref<4x128x128xf32, #tpu.memory_space<vmem>>, vector<1x1x16xf32>,
          %parallel_loop3A_195 = vector.shape_cast %parallel_loop3A_194 : vector<1x1x16xf32> to vector<16xf32>
          %parallel_loop3A_196 = arith.constant 8.000000e+00 : f32
          %parallel_loop3A_197 = vector.broadcast %parallel_loop3A_196 : f32 to vector<16xf32>
          %parallel_loop3A_198 = arith.mulf %parallel_loop3A_195, %parallel_loop3A_197 : vector<16xf32>
          %parallel_loop3A_199 = arith.constant 1 : i32
          %parallel_loop3A_200 = arith.index_cast %parallel_loop3A_199 : i32 to index
          %parallel_loop3A_201 = arith.index_cast %parallel_loop3A_173 : i32 to index
          %parallel_loop3A_202 = arith.constant 16 : index
          %parallel_loop3A_203 = tpu.vector_load %arg7[%parallel_loop3A_200, %parallel_loop3A_201, %parallel_loop3A_202] {strides = array<i32>} : memref<2x128x64xf32, #tpu.memory_space<vmem>>, vector<1x1x16xf32>,
          %parallel_loop3A_204 = vector.shape_cast %parallel_loop3A_203 : vector<1x1x16xf32> to vector<16xf32>
          %parallel_loop3A_205 = vector.shape_cast %parallel_loop3A_198 : vector<16xf32> to vector<1x1x16xf32>
          tpu.vector_store %arg7[%parallel_loop3A_200, %parallel_loop3A_201, %parallel_loop3A_202], %parallel_loop3A_205 {strides = array<i32>} : memref<2x128x64xf32, #tpu.memory_space<vmem>>, vector<1x1x16xf32>,
          %parallel_loop3A_206 = arith.constant 1 : i32
          %parallel_loop3A_207 = arith.index_cast %parallel_loop3A_206 : i32 to index
          %parallel_loop3A_208 = arith.index_cast %parallel_loop3A_173 : i32 to index
          %parallel_loop3A_209 = arith.constant 32 : index
          %parallel_loop3A_210 = tpu.vector_load %arg6[%parallel_loop3A_207, %parallel_loop3A_208, %parallel_loop3A_209] {strides = array<i32>} : memref<4x128x128xf32, #tpu.memory_space<vmem>>, vector<1x1x16xf32>,
          %parallel_loop3A_211 = vector.shape_cast %parallel_loop3A_210 : vector<1x1x16xf32> to vector<16xf32>
          %parallel_loop3A_212 = arith.constant 8.000000e+00 : f32
          %parallel_loop3A_213 = vector.broadcast %parallel_loop3A_212 : f32 to vector<16xf32>
          %parallel_loop3A_214 = arith.mulf %parallel_loop3A_211, %parallel_loop3A_213 : vector<16xf32>
          %parallel_loop3A_215 = arith.constant 1 : i32
          %parallel_loop3A_216 = arith.index_cast %parallel_loop3A_215 : i32 to index
          %parallel_loop3A_217 = arith.index_cast %parallel_loop3A_173 : i32 to index
          %parallel_loop3A_218 = arith.constant 32 : index
          %parallel_loop3A_219 = tpu.vector_load %arg7[%parallel_loop3A_216, %parallel_loop3A_217, %parallel_loop3A_218] {strides = array<i32>} : memref<2x128x64xf32, #tpu.memory_space<vmem>>, vector<1x1x16xf32>,
          %parallel_loop3A_220 = vector.shape_cast %parallel_loop3A_219 : vector<1x1x16xf32> to vector<16xf32>
          %parallel_loop3A_221 = vector.shape_cast %parallel_loop3A_214 : vector<16xf32> to vector<1x1x16xf32>
          tpu.vector_store %arg7[%parallel_loop3A_216, %parallel_loop3A_217, %parallel_loop3A_218], %parallel_loop3A_221 {strides = array<i32>} : memref<2x128x64xf32, #tpu.memory_space<vmem>>, vector<1x1x16xf32>,
          %parallel_loop3A_222 = arith.constant 1 : i32
          %parallel_loop3A_223 = arith.index_cast %parallel_loop3A_222 : i32 to index
          %parallel_loop3A_224 = arith.index_cast %parallel_loop3A_173 : i32 to index
          %parallel_loop3A_225 = arith.constant 48 : index
          %parallel_loop3A_226 = tpu.vector_load %arg6[%parallel_loop3A_223, %parallel_loop3A_224, %parallel_loop3A_225] {strides = array<i32>} : memref<4x128x128xf32, #tpu.memory_space<vmem>>, vector<1x1x16xf32>,
          %parallel_loop3A_227 = vector.shape_cast %parallel_loop3A_226 : vector<1x1x16xf32> to vector<16xf32>
          %parallel_loop3A_228 = arith.constant 8.000000e+00 : f32
          %parallel_loop3A_229 = vector.broadcast %parallel_loop3A_228 : f32 to vector<16xf32>
          %parallel_loop3A_230 = arith.mulf %parallel_loop3A_227, %parallel_loop3A_229 : vector<16xf32>
          %parallel_loop3A_231 = arith.constant 1 : i32
          %parallel_loop3A_232 = arith.index_cast %parallel_loop3A_231 : i32 to index
          %parallel_loop3A_233 = arith.index_cast %parallel_loop3A_173 : i32 to index
          %parallel_loop3A_234 = arith.constant 48 : index
          %parallel_loop3A_235 = tpu.vector_load %arg7[%parallel_loop3A_232, %parallel_loop3A_233, %parallel_loop3A_234] {strides = array<i32>} : memref<2x128x64xf32, #tpu.memory_space<vmem>>, vector<1x1x16xf32>,
          %parallel_loop3A_236 = vector.shape_cast %parallel_loop3A_235 : vector<1x1x16xf32> to vector<16xf32>
          %parallel_loop3A_237 = vector.shape_cast %parallel_loop3A_230 : vector<16xf32> to vector<1x1x16xf32>
          tpu.vector_store %arg7[%parallel_loop3A_232, %parallel_loop3A_233, %parallel_loop3A_234], %parallel_loop3A_237 {strides = array<i32>} : memref<2x128x64xf32, #tpu.memory_space<vmem>>, vector<1x1x16xf32>,
        } {sc.loop_unroll_factor = 8 : i64, sc.parallel_access}
        %mul3A_154 = arith.constant 128 : i32
        %mul3A_155 = arith.muli %add3A_99, %mul3A_154 : i32
        %add3A_156 = arith.addi %mul3A_4, %mul3A_155 : i32
        %dma_start3A_157 = arith.constant 1 : i32
        %dma_start3A_158 = arith.constant 1 : i32
        %dma_start3A_159 = arith.constant 0 : i32
        %dma_start3A_160 = arith.constant 0 : i32
        %dma_start3A_161 = tpu.memref_slice %arg7[%dma_start3A_157, %dma_start3A_159, %dma_start3A_160] : memref<2x128x64xf32, #tpu.memory_space<vmem>> -> memref<1x128x64xf32, #tpu.memory_space<vmem>>
        %dma_start3A_162 = tpu.memref_squeeze %dma_start3A_161 : memref<1x128x64xf32, #tpu.memory_space<vmem>> -> memref<128x64xf32, #tpu.memory_space<vmem>>
        %dma_start3A_163 = arith.constant 0 : i32
        %dma_start3A_164 = tpu.memref_slice %arg4[%add3A_156, %dma_start3A_163] : memref<819200x64xf32, #tpu.memory_space<hbm>> -> memref<128x64xf32, #tpu.memory_space<hbm>>
        %dma_start3A_165 = tpu.memref_slice %arg9[%dma_start3A_158] : memref<2x!tpu.dma_semaphore, #tpu.memory_space<semaphore_mem>> -> memref<1x!tpu.dma_semaphore, #tpu.memory_space<semaphore_mem>>
        %dma_start3A_166 = tpu.memref_squeeze %dma_start3A_165 : memref<1x!tpu.dma_semaphore, #tpu.memory_space<semaphore_mem>> -> memref<!tpu.dma_semaphore, #tpu.memory_space<semaphore_mem>>
        %dma_start3A_167 = arith.constant 0 : i32
        %dma_start3A_168 = tpu.memref_slice %arg4[%add3A_156, %dma_start3A_167] : memref<819200x64xf32, #tpu.memory_space<hbm>> -> memref<128x64xf32, #tpu.memory_space<hbm>>
        %dma_start3A_169 = arith.constant 0 : i32
        %dma_start3A_170 = arith.constant 0 : i32
        %dma_start3A_171 = tpu.memref_slice %arg7[%dma_start3A_157, %dma_start3A_169, %dma_start3A_170] : memref<2x128x64xf32, #tpu.memory_space<vmem>> -> memref<1x128x64xf32, #tpu.memory_space<vmem>>
        %dma_start3A_172 = tpu.memref_squeeze %dma_start3A_171 : memref<1x128x64xf32, #tpu.memory_space<vmem>> -> memref<128x64xf32, #tpu.memory_space<vmem>>
        tpu.enqueue_dma source(%dma_start3A_172 : memref<128x64xf32, #tpu.memory_space<vmem>>) target(%dma_start3A_168 : memref<128x64xf32, #tpu.memory_space<hbm>>) target_semaphore(%dma_start3A_166 : memref<!tpu.dma_semaphore, #tpu.memory_space<semaphore_mem>>)
      } else {
      }
      %mul3A_105 = arith.constant 4 : i32
      %mul3A_106 = arith.muli %scan3A_89, %mul3A_105 : i32
      %add3A_107 = arith.constant 2 : i32
      %add3A_108 = arith.addi %mul3A_106, %add3A_107 : i32
      %lt3A_109 = arith.constant 200 : i32
      %lt3A_110 = arith.cmpi slt, %add3A_108, %lt3A_109 : i32
      %convert_element_type3A_111 = arith.extui %lt3A_110 : i1 to i32
      %cond3A_112 = arith.constant 0 : i32
      %cond3A_113 = arith.cmpi ne, %convert_element_type3A_111, %cond3A_112 : i32
      scf.if %cond3A_113 {
        %dma_wait3A_123 = arith.constant 2 : i32
        %dma_wait3A_124 = arith.constant 2 : i32
        %dma_wait3A_125 = arith.constant 0 : i32
        %dma_wait3A_126 = arith.constant 0 : i32
        %dma_wait3A_127 = tpu.memref_slice %arg6[%dma_wait3A_123, %dma_wait3A_125, %dma_wait3A_126] : memref<4x128x128xf32, #tpu.memory_space<vmem>> -> memref<1x128x128xf32, #tpu.memory_space<vmem>>
        %dma_wait3A_128 = tpu.memref_squeeze %dma_wait3A_127 : memref<1x128x128xf32, #tpu.memory_space<vmem>> -> memref<128x128xf32, #tpu.memory_space<vmem>>
        %dma_wait3A_129 = arith.constant 0 : i32
        %dma_wait3A_130 = arith.constant 0 : i32
        %dma_wait3A_131 = tpu.memref_slice %arg3[%dma_wait3A_129, %dma_wait3A_130] : memref<1000000x128xf32, #tpu.memory_space<hbm>> -> memref<128x128xf32, #tpu.memory_space<hbm>>
        %dma_wait3A_132 = tpu.memref_slice %arg8[%dma_wait3A_124] : memref<4x!tpu.dma_semaphore, #tpu.memory_space<semaphore_mem>> -> memref<1x!tpu.dma_semaphore, #tpu.memory_space<semaphore_mem>>
        %dma_wait3A_133 = tpu.memref_squeeze %dma_wait3A_132 : memref<1x!tpu.dma_semaphore, #tpu.memory_space<semaphore_mem>> -> memref<!tpu.dma_semaphore, #tpu.memory_space<semaphore_mem>>
        %dma_wait3A_134 = arith.constant 0 : i32
        %dma_wait3A_135 = arith.constant 0 : i32
        %dma_wait3A_136 = tpu.memref_slice %arg6[%dma_wait3A_123, %dma_wait3A_134, %dma_wait3A_135] : memref<4x128x128xf32, #tpu.memory_space<vmem>> -> memref<1x128x128xf32, #tpu.memory_space<vmem>>
        %dma_wait3A_137 = tpu.memref_squeeze %dma_wait3A_136 : memref<1x128x128xf32, #tpu.memory_space<vmem>> -> memref<128x128xf32, #tpu.memory_space<vmem>>
        %dma_wait3A_138 = arith.constant 0 : i32
        %dma_wait3A_139 = arith.constant 0 : i32
        %dma_wait3A_140 = tpu.memref_slice %arg3[%dma_wait3A_138, %dma_wait3A_139] : memref<1000000x128xf32, #tpu.memory_space<hbm>> -> memref<128x128xf32, #tpu.memory_space<hbm>>
        tpu.wait_dma2 semaphore(%dma_wait3A_133 : memref<!tpu.dma_semaphore, #tpu.memory_space<semaphore_mem>>) src(%dma_wait3A_140 : memref<128x128xf32, #tpu.memory_space<hbm>>) dst(%dma_wait3A_137 : memref<128x128xf32, #tpu.memory_space<vmem>>)
        %add3A_141 = arith.constant 3 : i32
        %add3A_142 = arith.addi %add3A_108, %add3A_141 : i32
        %lt3A_143 = arith.constant 200 : i32
        %lt3A_144 = arith.cmpi slt, %add3A_142, %lt3A_143 : i32
        %convert_element_type3A_145 = arith.extui %lt3A_144 : i1 to i32
        %cond3A_146 = arith.constant 0 : i32
        %cond3A_147 = arith.cmpi ne, %convert_element_type3A_145, %cond3A_146 : i32
        scf.if %cond3A_147 {
          %dma_start3A_173 = arith.constant 1 : i32
          %dma_start3A_174 = arith.constant 1 : i32
          %dma_start3A_175 = arith.constant 0 : i32
          %dma_start3A_176 = arith.constant 0 : i32
          %dma_start3A_177 = tpu.memref_slice %arg6[%dma_start3A_173, %dma_start3A_175, %dma_start3A_176] : memref<4x128x128xf32, #tpu.memory_space<vmem>> -> memref<1x128x128xf32, #tpu.memory_space<vmem>>
          %dma_start3A_178 = tpu.memref_squeeze %dma_start3A_177 : memref<1x128x128xf32, #tpu.memory_space<vmem>> -> memref<128x128xf32, #tpu.memory_space<vmem>>
          %dma_start3A_179 = arith.constant 0 : i32
          %dma_start3A_180 = tpu.memref_slice %arg5[%add3A_142, %dma_start3A_179] : memref<200x128xi32, #tpu.memory_space<vmem>> -> memref<1x128xi32, #tpu.memory_space<vmem>>
          %dma_start3A_181 = tpu.memref_squeeze %dma_start3A_180 : memref<1x128xi32, #tpu.memory_space<vmem>> -> memref<128xi32, #tpu.memory_space<vmem>>
          %dma_start3A_182 = arith.constant 0 : i32
          %dma_start3A_183 = arith.constant 0 : i32
          %dma_start3A_184 = tpu.memref_slice %arg3[%dma_start3A_182, %dma_start3A_183] : memref<1000000x128xf32, #tpu.memory_space<hbm>> -> memref<1000000x128xf32, #tpu.memory_space<hbm>>
          %dma_start3A_185 = tpu.memref_slice %arg8[%dma_start3A_174] : memref<4x!tpu.dma_semaphore, #tpu.memory_space<semaphore_mem>> -> memref<1x!tpu.dma_semaphore, #tpu.memory_space<semaphore_mem>>
          %dma_start3A_186 = tpu.memref_squeeze %dma_start3A_185 : memref<1x!tpu.dma_semaphore, #tpu.memory_space<semaphore_mem>> -> memref<!tpu.dma_semaphore, #tpu.memory_space<semaphore_mem>>
          tpu.enqueue_indirect_dma source(%dma_start3A_184 : memref<1000000x128xf32, #tpu.memory_space<hbm>>) target(%dma_start3A_178 : memref<128x128xf32, #tpu.memory_space<vmem>>) offsets(%dma_start3A_181 : memref<128xi32, #tpu.memory_space<vmem>>) semaphore(%dma_start3A_186 : memref<!tpu.dma_semaphore, #tpu.memory_space<semaphore_mem>>)
        } else {
        }
        %ge3A = arith.constant 2 : i32
        %ge3A_148 = arith.cmpi sge, %add3A_108, %ge3A : i32
        %convert_element_type3A_149 = arith.extui %ge3A_148 : i1 to i32
        %cond3A_150 = arith.constant 0 : i32
        %cond3A_151 = arith.cmpi ne, %convert_element_type3A_149, %cond3A_150 : i32
        scf.if %cond3A_151 {
          %dma_wait3A_173 = arith.constant 0 : i32
          %dma_wait3A_174 = arith.constant 0 : i32
          %dma_wait3A_175 = arith.constant 0 : i32
          %dma_wait3A_176 = arith.constant 0 : i32
          %dma_wait3A_177 = tpu.memref_slice %arg7[%dma_wait3A_173, %dma_wait3A_175, %dma_wait3A_176] : memref<2x128x64xf32, #tpu.memory_space<vmem>> -> memref<1x128x64xf32, #tpu.memory_space<vmem>>
          %dma_wait3A_178 = tpu.memref_squeeze %dma_wait3A_177 : memref<1x128x64xf32, #tpu.memory_space<vmem>> -> memref<128x64xf32, #tpu.memory_space<vmem>>
          %dma_wait3A_179 = arith.constant 0 : i32
          %dma_wait3A_180 = arith.constant 0 : i32
          %dma_wait3A_181 = tpu.memref_slice %arg4[%dma_wait3A_179, %dma_wait3A_180] : memref<819200x64xf32, #tpu.memory_space<hbm>> -> memref<128x64xf32, #tpu.memory_space<hbm>>
          %dma_wait3A_182 = tpu.memref_slice %arg9[%dma_wait3A_174] : memref<2x!tpu.dma_semaphore, #tpu.memory_space<semaphore_mem>> -> memref<1x!tpu.dma_semaphore, #tpu.memory_space<semaphore_mem>>
          %dma_wait3A_183 = tpu.memref_squeeze %dma_wait3A_182 : memref<1x!tpu.dma_semaphore, #tpu.memory_space<semaphore_mem>> -> memref<!tpu.dma_semaphore, #tpu.memory_space<semaphore_mem>>
          %dma_wait3A_184 = arith.constant 0 : i32
          %dma_wait3A_185 = arith.constant 0 : i32
          %dma_wait3A_186 = tpu.memref_slice %arg4[%dma_wait3A_184, %dma_wait3A_185] : memref<819200x64xf32, #tpu.memory_space<hbm>> -> memref<128x64xf32, #tpu.memory_space<hbm>>
          %dma_wait3A_187 = arith.constant 0 : i32
          %dma_wait3A_188 = arith.constant 0 : i32
          %dma_wait3A_189 = tpu.memref_slice %arg7[%dma_wait3A_173, %dma_wait3A_187, %dma_wait3A_188] : memref<2x128x64xf32, #tpu.memory_space<vmem>> -> memref<1x128x64xf32, #tpu.memory_space<vmem>>
          %dma_wait3A_190 = tpu.memref_squeeze %dma_wait3A_189 : memref<1x128x64xf32, #tpu.memory_space<vmem>> -> memref<128x64xf32, #tpu.memory_space<vmem>>
          tpu.wait_dma2 semaphore(%dma_wait3A_183 : memref<!tpu.dma_semaphore, #tpu.memory_space<semaphore_mem>>) src(%dma_wait3A_190 : memref<128x64xf32, #tpu.memory_space<vmem>>) dst(%dma_wait3A_186 : memref<128x64xf32, #tpu.memory_space<hbm>>)
        } else {
        }
        %parallel_loop3A = arith.constant 0 : i32
        %parallel_loop3A_152 = arith.constant 128 : i32
        %parallel_loop3A_153 = arith.constant 1 : i32
        scf.for %parallel_loop3A_173 = %parallel_loop3A to %parallel_loop3A_152 step %parallel_loop3A_153  : i32 {
          %parallel_loop3A_174 = arith.constant 2 : i32
          %parallel_loop3A_175 = arith.index_cast %parallel_loop3A_174 : i32 to index
          %parallel_loop3A_176 = arith.index_cast %parallel_loop3A_173 : i32 to index
          %parallel_loop3A_177 = arith.constant 0 : index
          %parallel_loop3A_178 = tpu.vector_load %arg6[%parallel_loop3A_175, %parallel_loop3A_176, %parallel_loop3A_177] {strides = array<i32>} : memref<4x128x128xf32, #tpu.memory_space<vmem>>, vector<1x1x16xf32>,
          %parallel_loop3A_179 = vector.shape_cast %parallel_loop3A_178 : vector<1x1x16xf32> to vector<16xf32>
          %parallel_loop3A_180 = arith.constant 8.000000e+00 : f32
          %parallel_loop3A_181 = vector.broadcast %parallel_loop3A_180 : f32 to vector<16xf32>
          %parallel_loop3A_182 = arith.mulf %parallel_loop3A_179, %parallel_loop3A_181 : vector<16xf32>
          %parallel_loop3A_183 = arith.constant 0 : i32
          %parallel_loop3A_184 = arith.index_cast %parallel_loop3A_183 : i32 to index
          %parallel_loop3A_185 = arith.index_cast %parallel_loop3A_173 : i32 to index
          %parallel_loop3A_186 = arith.constant 0 : index
          %parallel_loop3A_187 = tpu.vector_load %arg7[%parallel_loop3A_184, %parallel_loop3A_185, %parallel_loop3A_186] {strides = array<i32>} : memref<2x128x64xf32, #tpu.memory_space<vmem>>, vector<1x1x16xf32>,
          %parallel_loop3A_188 = vector.shape_cast %parallel_loop3A_187 : vector<1x1x16xf32> to vector<16xf32>
          %parallel_loop3A_189 = vector.shape_cast %parallel_loop3A_182 : vector<16xf32> to vector<1x1x16xf32>
          tpu.vector_store %arg7[%parallel_loop3A_184, %parallel_loop3A_185, %parallel_loop3A_186], %parallel_loop3A_189 {strides = array<i32>} : memref<2x128x64xf32, #tpu.memory_space<vmem>>, vector<1x1x16xf32>,
          %parallel_loop3A_190 = arith.constant 2 : i32
          %parallel_loop3A_191 = arith.index_cast %parallel_loop3A_190 : i32 to index
          %parallel_loop3A_192 = arith.index_cast %parallel_loop3A_173 : i32 to index
          %parallel_loop3A_193 = arith.constant 16 : index
          %parallel_loop3A_194 = tpu.vector_load %arg6[%parallel_loop3A_191, %parallel_loop3A_192, %parallel_loop3A_193] {strides = array<i32>} : memref<4x128x128xf32, #tpu.memory_space<vmem>>, vector<1x1x16xf32>,
          %parallel_loop3A_195 = vector.shape_cast %parallel_loop3A_194 : vector<1x1x16xf32> to vector<16xf32>
          %parallel_loop3A_196 = arith.constant 8.000000e+00 : f32
          %parallel_loop3A_197 = vector.broadcast %parallel_loop3A_196 : f32 to vector<16xf32>
          %parallel_loop3A_198 = arith.mulf %parallel_loop3A_195, %parallel_loop3A_197 : vector<16xf32>
          %parallel_loop3A_199 = arith.constant 0 : i32
          %parallel_loop3A_200 = arith.index_cast %parallel_loop3A_199 : i32 to index
          %parallel_loop3A_201 = arith.index_cast %parallel_loop3A_173 : i32 to index
          %parallel_loop3A_202 = arith.constant 16 : index
          %parallel_loop3A_203 = tpu.vector_load %arg7[%parallel_loop3A_200, %parallel_loop3A_201, %parallel_loop3A_202] {strides = array<i32>} : memref<2x128x64xf32, #tpu.memory_space<vmem>>, vector<1x1x16xf32>,
          %parallel_loop3A_204 = vector.shape_cast %parallel_loop3A_203 : vector<1x1x16xf32> to vector<16xf32>
          %parallel_loop3A_205 = vector.shape_cast %parallel_loop3A_198 : vector<16xf32> to vector<1x1x16xf32>
          tpu.vector_store %arg7[%parallel_loop3A_200, %parallel_loop3A_201, %parallel_loop3A_202], %parallel_loop3A_205 {strides = array<i32>} : memref<2x128x64xf32, #tpu.memory_space<vmem>>, vector<1x1x16xf32>,
          %parallel_loop3A_206 = arith.constant 2 : i32
          %parallel_loop3A_207 = arith.index_cast %parallel_loop3A_206 : i32 to index
          %parallel_loop3A_208 = arith.index_cast %parallel_loop3A_173 : i32 to index
          %parallel_loop3A_209 = arith.constant 32 : index
          %parallel_loop3A_210 = tpu.vector_load %arg6[%parallel_loop3A_207, %parallel_loop3A_208, %parallel_loop3A_209] {strides = array<i32>} : memref<4x128x128xf32, #tpu.memory_space<vmem>>, vector<1x1x16xf32>,
          %parallel_loop3A_211 = vector.shape_cast %parallel_loop3A_210 : vector<1x1x16xf32> to vector<16xf32>
          %parallel_loop3A_212 = arith.constant 8.000000e+00 : f32
          %parallel_loop3A_213 = vector.broadcast %parallel_loop3A_212 : f32 to vector<16xf32>
          %parallel_loop3A_214 = arith.mulf %parallel_loop3A_211, %parallel_loop3A_213 : vector<16xf32>
          %parallel_loop3A_215 = arith.constant 0 : i32
          %parallel_loop3A_216 = arith.index_cast %parallel_loop3A_215 : i32 to index
          %parallel_loop3A_217 = arith.index_cast %parallel_loop3A_173 : i32 to index
          %parallel_loop3A_218 = arith.constant 32 : index
          %parallel_loop3A_219 = tpu.vector_load %arg7[%parallel_loop3A_216, %parallel_loop3A_217, %parallel_loop3A_218] {strides = array<i32>} : memref<2x128x64xf32, #tpu.memory_space<vmem>>, vector<1x1x16xf32>,
          %parallel_loop3A_220 = vector.shape_cast %parallel_loop3A_219 : vector<1x1x16xf32> to vector<16xf32>
          %parallel_loop3A_221 = vector.shape_cast %parallel_loop3A_214 : vector<16xf32> to vector<1x1x16xf32>
          tpu.vector_store %arg7[%parallel_loop3A_216, %parallel_loop3A_217, %parallel_loop3A_218], %parallel_loop3A_221 {strides = array<i32>} : memref<2x128x64xf32, #tpu.memory_space<vmem>>, vector<1x1x16xf32>,
          %parallel_loop3A_222 = arith.constant 2 : i32
          %parallel_loop3A_223 = arith.index_cast %parallel_loop3A_222 : i32 to index
          %parallel_loop3A_224 = arith.index_cast %parallel_loop3A_173 : i32 to index
          %parallel_loop3A_225 = arith.constant 48 : index
          %parallel_loop3A_226 = tpu.vector_load %arg6[%parallel_loop3A_223, %parallel_loop3A_224, %parallel_loop3A_225] {strides = array<i32>} : memref<4x128x128xf32, #tpu.memory_space<vmem>>, vector<1x1x16xf32>,
          %parallel_loop3A_227 = vector.shape_cast %parallel_loop3A_226 : vector<1x1x16xf32> to vector<16xf32>
          %parallel_loop3A_228 = arith.constant 8.000000e+00 : f32
          %parallel_loop3A_229 = vector.broadcast %parallel_loop3A_228 : f32 to vector<16xf32>
          %parallel_loop3A_230 = arith.mulf %parallel_loop3A_227, %parallel_loop3A_229 : vector<16xf32>
          %parallel_loop3A_231 = arith.constant 0 : i32
          %parallel_loop3A_232 = arith.index_cast %parallel_loop3A_231 : i32 to index
          %parallel_loop3A_233 = arith.index_cast %parallel_loop3A_173 : i32 to index
          %parallel_loop3A_234 = arith.constant 48 : index
          %parallel_loop3A_235 = tpu.vector_load %arg7[%parallel_loop3A_232, %parallel_loop3A_233, %parallel_loop3A_234] {strides = array<i32>} : memref<2x128x64xf32, #tpu.memory_space<vmem>>, vector<1x1x16xf32>,
          %parallel_loop3A_236 = vector.shape_cast %parallel_loop3A_235 : vector<1x1x16xf32> to vector<16xf32>
          %parallel_loop3A_237 = vector.shape_cast %parallel_loop3A_230 : vector<16xf32> to vector<1x1x16xf32>
          tpu.vector_store %arg7[%parallel_loop3A_232, %parallel_loop3A_233, %parallel_loop3A_234], %parallel_loop3A_237 {strides = array<i32>} : memref<2x128x64xf32, #tpu.memory_space<vmem>>, vector<1x1x16xf32>,
        } {sc.loop_unroll_factor = 8 : i64, sc.parallel_access}
        %mul3A_154 = arith.constant 128 : i32
        %mul3A_155 = arith.muli %add3A_108, %mul3A_154 : i32
        %add3A_156 = arith.addi %mul3A_4, %mul3A_155 : i32
        %dma_start3A_157 = arith.constant 0 : i32
        %dma_start3A_158 = arith.constant 0 : i32
        %dma_start3A_159 = arith.constant 0 : i32
        %dma_start3A_160 = arith.constant 0 : i32
        %dma_start3A_161 = tpu.memref_slice %arg7[%dma_start3A_157, %dma_start3A_159, %dma_start3A_160] : memref<2x128x64xf32, #tpu.memory_space<vmem>> -> memref<1x128x64xf32, #tpu.memory_space<vmem>>
        %dma_start3A_162 = tpu.memref_squeeze %dma_start3A_161 : memref<1x128x64xf32, #tpu.memory_space<vmem>> -> memref<128x64xf32, #tpu.memory_space<vmem>>
        %dma_start3A_163 = arith.constant 0 : i32
        %dma_start3A_164 = tpu.memref_slice %arg4[%add3A_156, %dma_start3A_163] : memref<819200x64xf32, #tpu.memory_space<hbm>> -> memref<128x64xf32, #tpu.memory_space<hbm>>
        %dma_start3A_165 = tpu.memref_slice %arg9[%dma_start3A_158] : memref<2x!tpu.dma_semaphore, #tpu.memory_space<semaphore_mem>> -> memref<1x!tpu.dma_semaphore, #tpu.memory_space<semaphore_mem>>
        %dma_start3A_166 = tpu.memref_squeeze %dma_start3A_165 : memref<1x!tpu.dma_semaphore, #tpu.memory_space<semaphore_mem>> -> memref<!tpu.dma_semaphore, #tpu.memory_space<semaphore_mem>>
        %dma_start3A_167 = arith.constant 0 : i32
        %dma_start3A_168 = tpu.memref_slice %arg4[%add3A_156, %dma_start3A_167] : memref<819200x64xf32, #tpu.memory_space<hbm>> -> memref<128x64xf32, #tpu.memory_space<hbm>>
        %dma_start3A_169 = arith.constant 0 : i32
        %dma_start3A_170 = arith.constant 0 : i32
        %dma_start3A_171 = tpu.memref_slice %arg7[%dma_start3A_157, %dma_start3A_169, %dma_start3A_170] : memref<2x128x64xf32, #tpu.memory_space<vmem>> -> memref<1x128x64xf32, #tpu.memory_space<vmem>>
        %dma_start3A_172 = tpu.memref_squeeze %dma_start3A_171 : memref<1x128x64xf32, #tpu.memory_space<vmem>> -> memref<128x64xf32, #tpu.memory_space<vmem>>
        tpu.enqueue_dma source(%dma_start3A_172 : memref<128x64xf32, #tpu.memory_space<vmem>>) target(%dma_start3A_168 : memref<128x64xf32, #tpu.memory_space<hbm>>) target_semaphore(%dma_start3A_166 : memref<!tpu.dma_semaphore, #tpu.memory_space<semaphore_mem>>)
      } else {
      }
      %mul3A_114 = arith.constant 4 : i32
      %mul3A_115 = arith.muli %scan3A_89, %mul3A_114 : i32
      %add3A_116 = arith.constant 3 : i32
      %add3A_117 = arith.addi %mul3A_115, %add3A_116 : i32
      %lt3A_118 = arith.constant 200 : i32
      %lt3A_119 = arith.cmpi slt, %add3A_117, %lt3A_118 : i32
      %convert_element_type3A_120 = arith.extui %lt3A_119 : i1 to i32
      %cond3A_121 = arith.constant 0 : i32
      %cond3A_122 = arith.cmpi ne, %convert_element_type3A_120, %cond3A_121 : i32
      scf.if %cond3A_122 {
        %dma_wait3A_123 = arith.constant 3 : i32
        %dma_wait3A_124 = arith.constant 3 : i32
        %dma_wait3A_125 = arith.constant 0 : i32
        %dma_wait3A_126 = arith.constant 0 : i32
        %dma_wait3A_127 = tpu.memref_slice %arg6[%dma_wait3A_123, %dma_wait3A_125, %dma_wait3A_126] : memref<4x128x128xf32, #tpu.memory_space<vmem>> -> memref<1x128x128xf32, #tpu.memory_space<vmem>>
        %dma_wait3A_128 = tpu.memref_squeeze %dma_wait3A_127 : memref<1x128x128xf32, #tpu.memory_space<vmem>> -> memref<128x128xf32, #tpu.memory_space<vmem>>
        %dma_wait3A_129 = arith.constant 0 : i32
        %dma_wait3A_130 = arith.constant 0 : i32
        %dma_wait3A_131 = tpu.memref_slice %arg3[%dma_wait3A_129, %dma_wait3A_130] : memref<1000000x128xf32, #tpu.memory_space<hbm>> -> memref<128x128xf32, #tpu.memory_space<hbm>>
        %dma_wait3A_132 = tpu.memref_slice %arg8[%dma_wait3A_124] : memref<4x!tpu.dma_semaphore, #tpu.memory_space<semaphore_mem>> -> memref<1x!tpu.dma_semaphore, #tpu.memory_space<semaphore_mem>>
        %dma_wait3A_133 = tpu.memref_squeeze %dma_wait3A_132 : memref<1x!tpu.dma_semaphore, #tpu.memory_space<semaphore_mem>> -> memref<!tpu.dma_semaphore, #tpu.memory_space<semaphore_mem>>
        %dma_wait3A_134 = arith.constant 0 : i32
        %dma_wait3A_135 = arith.constant 0 : i32
        %dma_wait3A_136 = tpu.memref_slice %arg6[%dma_wait3A_123, %dma_wait3A_134, %dma_wait3A_135] : memref<4x128x128xf32, #tpu.memory_space<vmem>> -> memref<1x128x128xf32, #tpu.memory_space<vmem>>
        %dma_wait3A_137 = tpu.memref_squeeze %dma_wait3A_136 : memref<1x128x128xf32, #tpu.memory_space<vmem>> -> memref<128x128xf32, #tpu.memory_space<vmem>>
        %dma_wait3A_138 = arith.constant 0 : i32
        %dma_wait3A_139 = arith.constant 0 : i32
        %dma_wait3A_140 = tpu.memref_slice %arg3[%dma_wait3A_138, %dma_wait3A_139] : memref<1000000x128xf32, #tpu.memory_space<hbm>> -> memref<128x128xf32, #tpu.memory_space<hbm>>
        tpu.wait_dma2 semaphore(%dma_wait3A_133 : memref<!tpu.dma_semaphore, #tpu.memory_space<semaphore_mem>>) src(%dma_wait3A_140 : memref<128x128xf32, #tpu.memory_space<hbm>>) dst(%dma_wait3A_137 : memref<128x128xf32, #tpu.memory_space<vmem>>)
        %add3A_141 = arith.constant 3 : i32
        %add3A_142 = arith.addi %add3A_117, %add3A_141 : i32
        %lt3A_143 = arith.constant 200 : i32
        %lt3A_144 = arith.cmpi slt, %add3A_142, %lt3A_143 : i32
        %convert_element_type3A_145 = arith.extui %lt3A_144 : i1 to i32
        %cond3A_146 = arith.constant 0 : i32
        %cond3A_147 = arith.cmpi ne, %convert_element_type3A_145, %cond3A_146 : i32
        scf.if %cond3A_147 {
          %dma_start3A_173 = arith.constant 2 : i32
          %dma_start3A_174 = arith.constant 2 : i32
          %dma_start3A_175 = arith.constant 0 : i32
          %dma_start3A_176 = arith.constant 0 : i32
          %dma_start3A_177 = tpu.memref_slice %arg6[%dma_start3A_173, %dma_start3A_175, %dma_start3A_176] : memref<4x128x128xf32, #tpu.memory_space<vmem>> -> memref<1x128x128xf32, #tpu.memory_space<vmem>>
          %dma_start3A_178 = tpu.memref_squeeze %dma_start3A_177 : memref<1x128x128xf32, #tpu.memory_space<vmem>> -> memref<128x128xf32, #tpu.memory_space<vmem>>
          %dma_start3A_179 = arith.constant 0 : i32
          %dma_start3A_180 = tpu.memref_slice %arg5[%add3A_142, %dma_start3A_179] : memref<200x128xi32, #tpu.memory_space<vmem>> -> memref<1x128xi32, #tpu.memory_space<vmem>>
          %dma_start3A_181 = tpu.memref_squeeze %dma_start3A_180 : memref<1x128xi32, #tpu.memory_space<vmem>> -> memref<128xi32, #tpu.memory_space<vmem>>
          %dma_start3A_182 = arith.constant 0 : i32
          %dma_start3A_183 = arith.constant 0 : i32
          %dma_start3A_184 = tpu.memref_slice %arg3[%dma_start3A_182, %dma_start3A_183] : memref<1000000x128xf32, #tpu.memory_space<hbm>> -> memref<1000000x128xf32, #tpu.memory_space<hbm>>
          %dma_start3A_185 = tpu.memref_slice %arg8[%dma_start3A_174] : memref<4x!tpu.dma_semaphore, #tpu.memory_space<semaphore_mem>> -> memref<1x!tpu.dma_semaphore, #tpu.memory_space<semaphore_mem>>
          %dma_start3A_186 = tpu.memref_squeeze %dma_start3A_185 : memref<1x!tpu.dma_semaphore, #tpu.memory_space<semaphore_mem>> -> memref<!tpu.dma_semaphore, #tpu.memory_space<semaphore_mem>>
          tpu.enqueue_indirect_dma source(%dma_start3A_184 : memref<1000000x128xf32, #tpu.memory_space<hbm>>) target(%dma_start3A_178 : memref<128x128xf32, #tpu.memory_space<vmem>>) offsets(%dma_start3A_181 : memref<128xi32, #tpu.memory_space<vmem>>) semaphore(%dma_start3A_186 : memref<!tpu.dma_semaphore, #tpu.memory_space<semaphore_mem>>)
        } else {
        }
        %ge3A = arith.constant 2 : i32
        %ge3A_148 = arith.cmpi sge, %add3A_117, %ge3A : i32
        %convert_element_type3A_149 = arith.extui %ge3A_148 : i1 to i32
        %cond3A_150 = arith.constant 0 : i32
        %cond3A_151 = arith.cmpi ne, %convert_element_type3A_149, %cond3A_150 : i32
        scf.if %cond3A_151 {
          %dma_wait3A_173 = arith.constant 1 : i32
          %dma_wait3A_174 = arith.constant 1 : i32
          %dma_wait3A_175 = arith.constant 0 : i32
          %dma_wait3A_176 = arith.constant 0 : i32
          %dma_wait3A_177 = tpu.memref_slice %arg7[%dma_wait3A_173, %dma_wait3A_175, %dma_wait3A_176] : memref<2x128x64xf32, #tpu.memory_space<vmem>> -> memref<1x128x64xf32, #tpu.memory_space<vmem>>
          %dma_wait3A_178 = tpu.memref_squeeze %dma_wait3A_177 : memref<1x128x64xf32, #tpu.memory_space<vmem>> -> memref<128x64xf32, #tpu.memory_space<vmem>>
          %dma_wait3A_179 = arith.constant 0 : i32
          %dma_wait3A_180 = arith.constant 0 : i32
          %dma_wait3A_181 = tpu.memref_slice %arg4[%dma_wait3A_179, %dma_wait3A_180] : memref<819200x64xf32, #tpu.memory_space<hbm>> -> memref<128x64xf32, #tpu.memory_space<hbm>>
          %dma_wait3A_182 = tpu.memref_slice %arg9[%dma_wait3A_174] : memref<2x!tpu.dma_semaphore, #tpu.memory_space<semaphore_mem>> -> memref<1x!tpu.dma_semaphore, #tpu.memory_space<semaphore_mem>>
          %dma_wait3A_183 = tpu.memref_squeeze %dma_wait3A_182 : memref<1x!tpu.dma_semaphore, #tpu.memory_space<semaphore_mem>> -> memref<!tpu.dma_semaphore, #tpu.memory_space<semaphore_mem>>
          %dma_wait3A_184 = arith.constant 0 : i32
          %dma_wait3A_185 = arith.constant 0 : i32
          %dma_wait3A_186 = tpu.memref_slice %arg4[%dma_wait3A_184, %dma_wait3A_185] : memref<819200x64xf32, #tpu.memory_space<hbm>> -> memref<128x64xf32, #tpu.memory_space<hbm>>
          %dma_wait3A_187 = arith.constant 0 : i32
          %dma_wait3A_188 = arith.constant 0 : i32
          %dma_wait3A_189 = tpu.memref_slice %arg7[%dma_wait3A_173, %dma_wait3A_187, %dma_wait3A_188] : memref<2x128x64xf32, #tpu.memory_space<vmem>> -> memref<1x128x64xf32, #tpu.memory_space<vmem>>
          %dma_wait3A_190 = tpu.memref_squeeze %dma_wait3A_189 : memref<1x128x64xf32, #tpu.memory_space<vmem>> -> memref<128x64xf32, #tpu.memory_space<vmem>>
          tpu.wait_dma2 semaphore(%dma_wait3A_183 : memref<!tpu.dma_semaphore, #tpu.memory_space<semaphore_mem>>) src(%dma_wait3A_190 : memref<128x64xf32, #tpu.memory_space<vmem>>) dst(%dma_wait3A_186 : memref<128x64xf32, #tpu.memory_space<hbm>>)
        } else {
        }
        %parallel_loop3A = arith.constant 0 : i32
        %parallel_loop3A_152 = arith.constant 128 : i32
        %parallel_loop3A_153 = arith.constant 1 : i32
        scf.for %parallel_loop3A_173 = %parallel_loop3A to %parallel_loop3A_152 step %parallel_loop3A_153  : i32 {
          %parallel_loop3A_174 = arith.constant 3 : i32
          %parallel_loop3A_175 = arith.index_cast %parallel_loop3A_174 : i32 to index
          %parallel_loop3A_176 = arith.index_cast %parallel_loop3A_173 : i32 to index
          %parallel_loop3A_177 = arith.constant 0 : index
          %parallel_loop3A_178 = tpu.vector_load %arg6[%parallel_loop3A_175, %parallel_loop3A_176, %parallel_loop3A_177] {strides = array<i32>} : memref<4x128x128xf32, #tpu.memory_space<vmem>>, vector<1x1x16xf32>,
          %parallel_loop3A_179 = vector.shape_cast %parallel_loop3A_178 : vector<1x1x16xf32> to vector<16xf32>
          %parallel_loop3A_180 = arith.constant 8.000000e+00 : f32
          %parallel_loop3A_181 = vector.broadcast %parallel_loop3A_180 : f32 to vector<16xf32>
          %parallel_loop3A_182 = arith.mulf %parallel_loop3A_179, %parallel_loop3A_181 : vector<16xf32>
          %parallel_loop3A_183 = arith.constant 1 : i32
          %parallel_loop3A_184 = arith.index_cast %parallel_loop3A_183 : i32 to index
          %parallel_loop3A_185 = arith.index_cast %parallel_loop3A_173 : i32 to index
          %parallel_loop3A_186 = arith.constant 0 : index
          %parallel_loop3A_187 = tpu.vector_load %arg7[%parallel_loop3A_184, %parallel_loop3A_185, %parallel_loop3A_186] {strides = array<i32>} : memref<2x128x64xf32, #tpu.memory_space<vmem>>, vector<1x1x16xf32>,
          %parallel_loop3A_188 = vector.shape_cast %parallel_loop3A_187 : vector<1x1x16xf32> to vector<16xf32>
          %parallel_loop3A_189 = vector.shape_cast %parallel_loop3A_182 : vector<16xf32> to vector<1x1x16xf32>
          tpu.vector_store %arg7[%parallel_loop3A_184, %parallel_loop3A_185, %parallel_loop3A_186], %parallel_loop3A_189 {strides = array<i32>} : memref<2x128x64xf32, #tpu.memory_space<vmem>>, vector<1x1x16xf32>,
          %parallel_loop3A_190 = arith.constant 3 : i32
          %parallel_loop3A_191 = arith.index_cast %parallel_loop3A_190 : i32 to index
          %parallel_loop3A_192 = arith.index_cast %parallel_loop3A_173 : i32 to index
          %parallel_loop3A_193 = arith.constant 16 : index
          %parallel_loop3A_194 = tpu.vector_load %arg6[%parallel_loop3A_191, %parallel_loop3A_192, %parallel_loop3A_193] {strides = array<i32>} : memref<4x128x128xf32, #tpu.memory_space<vmem>>, vector<1x1x16xf32>,
          %parallel_loop3A_195 = vector.shape_cast %parallel_loop3A_194 : vector<1x1x16xf32> to vector<16xf32>
          %parallel_loop3A_196 = arith.constant 8.000000e+00 : f32
          %parallel_loop3A_197 = vector.broadcast %parallel_loop3A_196 : f32 to vector<16xf32>
          %parallel_loop3A_198 = arith.mulf %parallel_loop3A_195, %parallel_loop3A_197 : vector<16xf32>
          %parallel_loop3A_199 = arith.constant 1 : i32
          %parallel_loop3A_200 = arith.index_cast %parallel_loop3A_199 : i32 to index
          %parallel_loop3A_201 = arith.index_cast %parallel_loop3A_173 : i32 to index
          %parallel_loop3A_202 = arith.constant 16 : index
          %parallel_loop3A_203 = tpu.vector_load %arg7[%parallel_loop3A_200, %parallel_loop3A_201, %parallel_loop3A_202] {strides = array<i32>} : memref<2x128x64xf32, #tpu.memory_space<vmem>>, vector<1x1x16xf32>,
          %parallel_loop3A_204 = vector.shape_cast %parallel_loop3A_203 : vector<1x1x16xf32> to vector<16xf32>
          %parallel_loop3A_205 = vector.shape_cast %parallel_loop3A_198 : vector<16xf32> to vector<1x1x16xf32>
          tpu.vector_store %arg7[%parallel_loop3A_200, %parallel_loop3A_201, %parallel_loop3A_202], %parallel_loop3A_205 {strides = array<i32>} : memref<2x128x64xf32, #tpu.memory_space<vmem>>, vector<1x1x16xf32>,
          %parallel_loop3A_206 = arith.constant 3 : i32
          %parallel_loop3A_207 = arith.index_cast %parallel_loop3A_206 : i32 to index
          %parallel_loop3A_208 = arith.index_cast %parallel_loop3A_173 : i32 to index
          %parallel_loop3A_209 = arith.constant 32 : index
          %parallel_loop3A_210 = tpu.vector_load %arg6[%parallel_loop3A_207, %parallel_loop3A_208, %parallel_loop3A_209] {strides = array<i32>} : memref<4x128x128xf32, #tpu.memory_space<vmem>>, vector<1x1x16xf32>,
          %parallel_loop3A_211 = vector.shape_cast %parallel_loop3A_210 : vector<1x1x16xf32> to vector<16xf32>
          %parallel_loop3A_212 = arith.constant 8.000000e+00 : f32
          %parallel_loop3A_213 = vector.broadcast %parallel_loop3A_212 : f32 to vector<16xf32>
          %parallel_loop3A_214 = arith.mulf %parallel_loop3A_211, %parallel_loop3A_213 : vector<16xf32>
          %parallel_loop3A_215 = arith.constant 1 : i32
          %parallel_loop3A_216 = arith.index_cast %parallel_loop3A_215 : i32 to index
          %parallel_loop3A_217 = arith.index_cast %parallel_loop3A_173 : i32 to index
          %parallel_loop3A_218 = arith.constant 32 : index
          %parallel_loop3A_219 = tpu.vector_load %arg7[%parallel_loop3A_216, %parallel_loop3A_217, %parallel_loop3A_218] {strides = array<i32>} : memref<2x128x64xf32, #tpu.memory_space<vmem>>, vector<1x1x16xf32>,
          %parallel_loop3A_220 = vector.shape_cast %parallel_loop3A_219 : vector<1x1x16xf32> to vector<16xf32>
          %parallel_loop3A_221 = vector.shape_cast %parallel_loop3A_214 : vector<16xf32> to vector<1x1x16xf32>
          tpu.vector_store %arg7[%parallel_loop3A_216, %parallel_loop3A_217, %parallel_loop3A_218], %parallel_loop3A_221 {strides = array<i32>} : memref<2x128x64xf32, #tpu.memory_space<vmem>>, vector<1x1x16xf32>,
          %parallel_loop3A_222 = arith.constant 3 : i32
          %parallel_loop3A_223 = arith.index_cast %parallel_loop3A_222 : i32 to index
          %parallel_loop3A_224 = arith.index_cast %parallel_loop3A_173 : i32 to index
          %parallel_loop3A_225 = arith.constant 48 : index
          %parallel_loop3A_226 = tpu.vector_load %arg6[%parallel_loop3A_223, %parallel_loop3A_224, %parallel_loop3A_225] {strides = array<i32>} : memref<4x128x128xf32, #tpu.memory_space<vmem>>, vector<1x1x16xf32>,
          %parallel_loop3A_227 = vector.shape_cast %parallel_loop3A_226 : vector<1x1x16xf32> to vector<16xf32>
          %parallel_loop3A_228 = arith.constant 8.000000e+00 : f32
          %parallel_loop3A_229 = vector.broadcast %parallel_loop3A_228 : f32 to vector<16xf32>
          %parallel_loop3A_230 = arith.mulf %parallel_loop3A_227, %parallel_loop3A_229 : vector<16xf32>
          %parallel_loop3A_231 = arith.constant 1 : i32
          %parallel_loop3A_232 = arith.index_cast %parallel_loop3A_231 : i32 to index
          %parallel_loop3A_233 = arith.index_cast %parallel_loop3A_173 : i32 to index
          %parallel_loop3A_234 = arith.constant 48 : index
          %parallel_loop3A_235 = tpu.vector_load %arg7[%parallel_loop3A_232, %parallel_loop3A_233, %parallel_loop3A_234] {strides = array<i32>} : memref<2x128x64xf32, #tpu.memory_space<vmem>>, vector<1x1x16xf32>,
          %parallel_loop3A_236 = vector.shape_cast %parallel_loop3A_235 : vector<1x1x16xf32> to vector<16xf32>
          %parallel_loop3A_237 = vector.shape_cast %parallel_loop3A_230 : vector<16xf32> to vector<1x1x16xf32>
          tpu.vector_store %arg7[%parallel_loop3A_232, %parallel_loop3A_233, %parallel_loop3A_234], %parallel_loop3A_237 {strides = array<i32>} : memref<2x128x64xf32, #tpu.memory_space<vmem>>, vector<1x1x16xf32>,
        } {sc.loop_unroll_factor = 8 : i64, sc.parallel_access}
        %mul3A_154 = arith.constant 128 : i32
        %mul3A_155 = arith.muli %add3A_117, %mul3A_154 : i32
        %add3A_156 = arith.addi %mul3A_4, %mul3A_155 : i32
        %dma_start3A_157 = arith.constant 1 : i32
        %dma_start3A_158 = arith.constant 1 : i32
        %dma_start3A_159 = arith.constant 0 : i32
        %dma_start3A_160 = arith.constant 0 : i32
        %dma_start3A_161 = tpu.memref_slice %arg7[%dma_start3A_157, %dma_start3A_159, %dma_start3A_160] : memref<2x128x64xf32, #tpu.memory_space<vmem>> -> memref<1x128x64xf32, #tpu.memory_space<vmem>>
        %dma_start3A_162 = tpu.memref_squeeze %dma_start3A_161 : memref<1x128x64xf32, #tpu.memory_space<vmem>> -> memref<128x64xf32, #tpu.memory_space<vmem>>
        %dma_start3A_163 = arith.constant 0 : i32
        %dma_start3A_164 = tpu.memref_slice %arg4[%add3A_156, %dma_start3A_163] : memref<819200x64xf32, #tpu.memory_space<hbm>> -> memref<128x64xf32, #tpu.memory_space<hbm>>
        %dma_start3A_165 = tpu.memref_slice %arg9[%dma_start3A_158] : memref<2x!tpu.dma_semaphore, #tpu.memory_space<semaphore_mem>> -> memref<1x!tpu.dma_semaphore, #tpu.memory_space<semaphore_mem>>
        %dma_start3A_166 = tpu.memref_squeeze %dma_start3A_165 : memref<1x!tpu.dma_semaphore, #tpu.memory_space<semaphore_mem>> -> memref<!tpu.dma_semaphore, #tpu.memory_space<semaphore_mem>>
        %dma_start3A_167 = arith.constant 0 : i32
        %dma_start3A_168 = tpu.memref_slice %arg4[%add3A_156, %dma_start3A_167] : memref<819200x64xf32, #tpu.memory_space<hbm>> -> memref<128x64xf32, #tpu.memory_space<hbm>>
        %dma_start3A_169 = arith.constant 0 : i32
        %dma_start3A_170 = arith.constant 0 : i32
        %dma_start3A_171 = tpu.memref_slice %arg7[%dma_start3A_157, %dma_start3A_169, %dma_start3A_170] : memref<2x128x64xf32, #tpu.memory_space<vmem>> -> memref<1x128x64xf32, #tpu.memory_space<vmem>>
        %dma_start3A_172 = tpu.memref_squeeze %dma_start3A_171 : memref<1x128x64xf32, #tpu.memory_space<vmem>> -> memref<128x64xf32, #tpu.memory_space<vmem>>
        tpu.enqueue_dma source(%dma_start3A_172 : memref<128x64xf32, #tpu.memory_space<vmem>>) target(%dma_start3A_168 : memref<128x64xf32, #tpu.memory_space<hbm>>) target_semaphore(%dma_start3A_166 : memref<!tpu.dma_semaphore, #tpu.memory_space<semaphore_mem>>)
      } else {
      }
    }
    %scan3A_53 = arith.constant 50 : i32
    %dma_wait3A = arith.constant 0 : i32
    %dma_wait3A_54 = arith.constant 0 : i32
    %dma_wait3A_55 = arith.constant 0 : i32
    %dma_wait3A_56 = arith.constant 0 : i32
    %dma_wait3A_57 = tpu.memref_slice %arg7[%dma_wait3A, %dma_wait3A_55, %dma_wait3A_56] : memref<2x128x64xf32, #tpu.memory_space<vmem>> -> memref<1x128x64xf32, #tpu.memory_space<vmem>>
    %dma_wait3A_58 = tpu.memref_squeeze %dma_wait3A_57 : memref<1x128x64xf32, #tpu.memory_space<vmem>> -> memref<128x64xf32, #tpu.memory_space<vmem>>
    %dma_wait3A_59 = arith.constant 0 : i32
    %dma_wait3A_60 = arith.constant 0 : i32
    %dma_wait3A_61 = tpu.memref_slice %arg4[%dma_wait3A_59, %dma_wait3A_60] : memref<819200x64xf32, #tpu.memory_space<hbm>> -> memref<128x64xf32, #tpu.memory_space<hbm>>
    %dma_wait3A_62 = tpu.memref_slice %arg9[%dma_wait3A_54] : memref<2x!tpu.dma_semaphore, #tpu.memory_space<semaphore_mem>> -> memref<1x!tpu.dma_semaphore, #tpu.memory_space<semaphore_mem>>
    %dma_wait3A_63 = tpu.memref_squeeze %dma_wait3A_62 : memref<1x!tpu.dma_semaphore, #tpu.memory_space<semaphore_mem>> -> memref<!tpu.dma_semaphore, #tpu.memory_space<semaphore_mem>>
    %dma_wait3A_64 = arith.constant 0 : i32
    %dma_wait3A_65 = arith.constant 0 : i32
    %dma_wait3A_66 = tpu.memref_slice %arg4[%dma_wait3A_64, %dma_wait3A_65] : memref<819200x64xf32, #tpu.memory_space<hbm>> -> memref<128x64xf32, #tpu.memory_space<hbm>>
    %dma_wait3A_67 = arith.constant 0 : i32
    %dma_wait3A_68 = arith.constant 0 : i32
    %dma_wait3A_69 = tpu.memref_slice %arg7[%dma_wait3A, %dma_wait3A_67, %dma_wait3A_68] : memref<2x128x64xf32, #tpu.memory_space<vmem>> -> memref<1x128x64xf32, #tpu.memory_space<vmem>>
    %dma_wait3A_70 = tpu.memref_squeeze %dma_wait3A_69 : memref<1x128x64xf32, #tpu.memory_space<vmem>> -> memref<128x64xf32, #tpu.memory_space<vmem>>
    tpu.wait_dma2 semaphore(%dma_wait3A_63 : memref<!tpu.dma_semaphore, #tpu.memory_space<semaphore_mem>>) src(%dma_wait3A_70 : memref<128x64xf32, #tpu.memory_space<vmem>>) dst(%dma_wait3A_66 : memref<128x64xf32, #tpu.memory_space<hbm>>)
    %dma_wait3A_71 = arith.constant 1 : i32
    %dma_wait3A_72 = arith.constant 1 : i32
    %dma_wait3A_73 = arith.constant 0 : i32
    %dma_wait3A_74 = arith.constant 0 : i32
    %dma_wait3A_75 = tpu.memref_slice %arg7[%dma_wait3A_71, %dma_wait3A_73, %dma_wait3A_74] : memref<2x128x64xf32, #tpu.memory_space<vmem>> -> memref<1x128x64xf32, #tpu.memory_space<vmem>>
    %dma_wait3A_76 = tpu.memref_squeeze %dma_wait3A_75 : memref<1x128x64xf32, #tpu.memory_space<vmem>> -> memref<128x64xf32, #tpu.memory_space<vmem>>
    %dma_wait3A_77 = arith.constant 0 : i32
    %dma_wait3A_78 = arith.constant 0 : i32
    %dma_wait3A_79 = tpu.memref_slice %arg4[%dma_wait3A_77, %dma_wait3A_78] : memref<819200x64xf32, #tpu.memory_space<hbm>> -> memref<128x64xf32, #tpu.memory_space<hbm>>
    %dma_wait3A_80 = tpu.memref_slice %arg9[%dma_wait3A_72] : memref<2x!tpu.dma_semaphore, #tpu.memory_space<semaphore_mem>> -> memref<1x!tpu.dma_semaphore, #tpu.memory_space<semaphore_mem>>
    %dma_wait3A_81 = tpu.memref_squeeze %dma_wait3A_80 : memref<1x!tpu.dma_semaphore, #tpu.memory_space<semaphore_mem>> -> memref<!tpu.dma_semaphore, #tpu.memory_space<semaphore_mem>>
    %dma_wait3A_82 = arith.constant 0 : i32
    %dma_wait3A_83 = arith.constant 0 : i32
    %dma_wait3A_84 = tpu.memref_slice %arg4[%dma_wait3A_82, %dma_wait3A_83] : memref<819200x64xf32, #tpu.memory_space<hbm>> -> memref<128x64xf32, #tpu.memory_space<hbm>>
    %dma_wait3A_85 = arith.constant 0 : i32
    %dma_wait3A_86 = arith.constant 0 : i32
    %dma_wait3A_87 = tpu.memref_slice %arg7[%dma_wait3A_71, %dma_wait3A_85, %dma_wait3A_86] : memref<2x128x64xf32, #tpu.memory_space<vmem>> -> memref<1x128x64xf32, #tpu.memory_space<vmem>>
    %dma_wait3A_88 = tpu.memref_squeeze %dma_wait3A_87 : memref<1x128x64xf32, #tpu.memory_space<vmem>> -> memref<128x64xf32, #tpu.memory_space<vmem>>
    tpu.wait_dma2 semaphore(%dma_wait3A_81 : memref<!tpu.dma_semaphore, #tpu.memory_space<semaphore_mem>>) src(%dma_wait3A_88 : memref<128x64xf32, #tpu.memory_space<vmem>>) dst(%dma_wait3A_84 : memref<128x64xf32, #tpu.memory_space<hbm>>)
    return
  }
}

</mosaic_0001>

<sc_bundles>
// kernel: kernel.3.cloned.1.call-start
scs
__scs_entry_jumppad:
0x0: {  	(pc) =	sbr.rel $0x88, $3  }
0x1: {  	(tag) =	ssettag $0x0;
	lr =	simm.s32 $0x1  }
0x2: {  	[smem:$0x3F9F] =	sst lr;
	_ =	strace $0xD0000000  }
0x3: {  	_ = 	snop  }
0x4: {  	_ = 	snop  }
0x5: {  	_ = 	snop  }
0x6: {  	_ = 	snop  }
0x7: {  	_ = 	snop  }
__scs_overlays_trampoline_lowered:
0x8: {  	[smem:$0x3FAE] =	sst s0  }
0x9: {  	[smem:$0x3FAF] =	sst s1  }
0xa: {  	[smem:$0x3FB0] =	sst s2  }
0xb: {  	[smem:$0x3FB1] =	sst s3  }
0xc: {  	[smem:$0x3FB2] =	sst s4  }
0xd: {  	[smem:$0x3FB3] =	sst s5  }
0xe: {  	[smem:$0x3FB4] =	sst s6  }
0xf: {  	[smem:$0x3FB5] =	sst s7  }
0x10: {  	[smem:$0x3FB6] =	sst s8  }
0x11: {  	[smem:$0x3FB7] =	sst s9;
	s0 =	simm.s32 @!p0 $0x0  }
0x12: {  	s1 =	sld [smem:$0x3F9D];
	s0 =	simm.s32 @p0 $0x1  }
0x13: {  	[smem:$0x3FB8] =	sst s0;
	s0 =	simm.s32 @!p1 $0x0  }
0x14: {  	s2 =	sld [smem:$0x3F9C];
	s0 =	simm.s32 @p1 $0x1  }
0x15: {  	[smem:$0x3FB9] =	sst s0;
	s0 =	simm.s32 @!p2 $0x0  }
0x16: {  	s3 =	sld [smem:$0x3FDB];
	s0 =	simm.s32 @p2 $0x1  }
0x17: {  	s4 =	simm.s32 $0x1BF5;
	[smem:$0x3FBB] =	sst s0  }
0x18: {  	s0 =	sld [smem:$0x3F9E];
	_ =	swait.ge [sflag:s4], $0x0  }
0x19: {  	s7 =	sld [smem:$0x3F9F]  }
0x1a: {  	s8 =	sadd.s32 $0xFFFFE003, lr  }
0x1b: {  	s9 =	sadd.s32 $0xFFFFFEF7, lr;
	s5 =	simm.s32 $0xFFFFFFFF;
	p2 =	slt.u32 s8, $0xFFFFF086  }
0x1c: {  	p1 =	slt.u32 s9, $0xF7A;
	s5 =	simm.s32 @!p2 $0x0  }
0x1d: {  	s5 =	simm.s32 @p1 $0x1;
	p0 =	seq.s32 s7, s2  }
0x1e: {  	s7 =	smul.u32 @!p0 $0xF7A, s2;
	p2 =	seq.s32 @!p0 s5, $0x0  }
0x1f: {  	s9 =	smul.u32 $0xF7A, s1;
	s8 =	simm.s32 @!p0 $0x1BF5;
	p2 =	por !p2, p0  }
0x20: {  	[sflag:s8] =	ssyncset.s32 @!p0 $0xFFFFF086;
	s6 =	sadd.s32 @!p0 s3, s7;
	s7 =	simm.s32 @!p0 $0x108  }
0x21: {  	s3 =	sadd.s32 s3, s9;
	s6 =	sadd.s32 @!p0 $0x88, s6;
	s7 =	simm.s32 @p2 $0x1082  }
0x22: {  	[simem:s7], [sflag:s8] =	dma.local @!p0 [hbm:s6], $0xF7A  }
0x23: {  	s9 =	sor.u32 $0xD0000000, s2;
	s6 =	simm.s32 $0x108;
	_ =	swait.ge @!p0 [sflag:s8], $0x0  }
0x24: {  	s3 =	sadd.s32 $0x88, s3;
	s6 =	simm.s32 @!p1 $0x1082;
	[sflag:s4] =	ssyncset.s32 $0xFFFFF086  }
0x25: {  	[simem:s6], [sflag:s4] =	dma.local [hbm:s3], $0xF7A  }
0x26: {  	[smem:$0x3F9F] =	sst s1;
	(tag) =	ssettag s2;
	_ =	strace s9  }
0x27: {  	s1 =	sld [smem:$0x3FAF]  }
0x28: {  	s2 =	sld [smem:$0x3FB0]  }
0x29: {  	s4 =	sld [smem:$0x3FB2]  }
0x2a: {  	p0 =	seq.s32 s5, $0x0;
	s5 =	sld [smem:$0x3FB3]  }
0x2b: {  	s6 =	sld [smem:$0x3FB4]  }
0x2c: {  	s7 =	sld [smem:$0x3FB5]  }
0x2d: {  	s3 =	simm.s32 $0x108;
	s8 =	sld [smem:$0x3FB6]  }
0x2e: {  	s3 =	simm.s32 @!p0 $0x1082;
	s9 =	sld [smem:$0x3FB7]  }
0x2f: {  	lr =	sadd.s32 s0, s3;
	s0 =	sld [smem:$0x3FAE]  }
0x30: {  	s3 =	sld [smem:$0x3FB1]  }
0x31: {  	[smem:$0x3FBA] =	sst s10  }
0x32: {  	s10 =	sld [smem:$0x3FB8];
	_ =	sdelay $0x3  }
0x33: {  	p0 =	seq.s32 s10, $0x1;
	s10 =	sld [smem:$0x3FBA];
	_ =	sdelay $0x3  }
0x34: {  	[smem:$0x3FBA] =	sst s10  }
0x35: {  	s10 =	sld [smem:$0x3FB9];
	_ =	sdelay $0x3  }
0x36: {  	p1 =	seq.s32 s10, $0x1;
	s10 =	sld [smem:$0x3FBA];
	_ =	sdelay $0x3  }
0x37: {  	[smem:$0x3FBA] =	sst s10  }
0x38: {  	s10 =	sld [smem:$0x3FBB]  }
0x39: {  	_ = 	snop;
	(pc) =	sbr.ind lr, $3  }
0x3a: {  	_ = 	snop  }
0x3b: {  	_ = 	snop  }
0x3c: {  	p2 =	seq.s32 s10, $0x1;
	s10 =	sld [smem:$0x3FBA]  }
0x3d: {  	_ =	shalt  }
0x3e: {  	_ =	shalt  }
0x3f: {  	_ =	shalt  }
0x40: {  	_ =	shalt  }
0x41: {  	_ =	shalt  }
0x42: {  	_ =	shalt  }
0x43: {  	_ =	shalt  }
0x44: {  	_ =	shalt  }
0x45: {  	_ =	shalt  }
0x46: {  	_ =	shalt  }
0x47: {  	_ =	shalt  }
0x48: {  	_ =	shalt  }
0x49: {  	_ =	shalt  }
0x4a: {  	_ =	shalt  }
0x4b: {  	_ =	shalt  }
0x4c: {  	_ =	shalt  }
0x4d: {  	_ =	shalt  }
0x4e: {  	_ =	shalt  }
0x4f: {  	_ =	shalt  }
0x50: {  	_ =	shalt  }
0x51: {  	_ =	shalt  }
0x52: {  	_ =	shalt  }
0x53: {  	_ =	shalt  }
0x54: {  	_ =	shalt  }
0x55: {  	_ =	shalt  }
0x56: {  	_ =	shalt  }
0x57: {  	_ =	shalt  }
0x58: {  	_ =	shalt  }
0x59: {  	_ =	shalt  }
0x5a: {  	_ =	shalt  }
0x5b: {  	_ =	shalt  }
0x5c: {  	_ =	shalt  }
0x5d: {  	_ =	shalt  }
0x5e: {  	_ =	shalt  }
0x5f: {  	_ =	shalt  }
0x60: {  	_ =	shalt  }
0x61: {  	_ =	shalt  }
0x62: {  	_ =	shalt  }
0x63: {  	_ =	shalt  }
0x64: {  	_ =	shalt  }
0x65: {  	_ =	shalt  }
0x66: {  	_ =	shalt  }
0x67: {  	_ =	shalt  }
0x68: {  	_ =	shalt  }
0x69: {  	_ =	shalt  }
0x6a: {  	_ =	shalt  }
0x6b: {  	_ =	shalt  }
0x6c: {  	_ =	shalt  }
0x6d: {  	_ =	shalt  }
0x6e: {  	_ =	shalt  }
0x6f: {  	_ =	shalt  }
0x70: {  	_ =	shalt  }
0x71: {  	_ =	shalt  }
0x72: {  	_ =	shalt  }
0x73: {  	_ =	shalt  }
0x74: {  	_ =	shalt  }
0x75: {  	_ =	shalt  }
0x76: {  	_ =	shalt  }
0x77: {  	_ =	shalt  }
0x78: {  	_ =	shalt  }
0x79: {  	_ =	shalt  }
0x7a: {  	_ =	shalt  }
0x7b: {  	_ =	shalt  }
0x7c: {  	_ =	shalt  }
0x7d: {  	_ =	shalt  }
0x7e: {  	_ =	shalt  }
0x7f: {  	_ =	shalt  }
0x80: {  	_ =	shalt  }
0x81: {  	_ =	shalt  }
0x82: {  	_ =	shalt  }
0x83: {  	_ =	shalt  }
0x84: {  	_ =	shalt  }
0x85: {  	_ =	shalt  }
0x86: {  	_ =	shalt  }
0x87: {  	_ =	shalt  }
.Lfunc_end0:
.L_simem_size_0:
called_computation.1_lowered:
.L_overlay_start_0:
0x88: {  	s2 =	sld [smem:$0x3FD9]  }
0x89: {  	s3 =	sld [smem:$0x3FFE];
	_ =	sdelay $0x1  }
0x8a: {  	s1 =	srdreg.scid  }
0x8b: {  	s0 =	sand.u32 $0x1, s1  }
0x8c: {  	s17 =	sshll.u32 s0, $0xA;
	s2 =	sadd.s32 s3, s2  }
0x8d: {  	s2 =	sadd.s32 s2, s17  }
0x8e: {  	[smem:$0x3FC6] =	sst s2  }
0x8f: {  	_ = 	snop  }
0x90: {  	s2 =	sld [smem:$0x3FD0];
	(tm) =	ssettm $0x1  }
0x91: {  	s18 =	sld [smem:$0x3FFB];
	_ =	sdelay $0x3  }
0x92: {  	_ =	strace s18  }
0x93: {  	s3 =	sld [smem:$0x3FFC];
	_ =	sdelay $0x3  }
0x94: {  	_ =	strace s3  }
0x95: {  	s3 =	sld [smem:$0x3FFD];
	_ =	sdelay $0x3  }
0x96: {  	_ =	strace s3  }
0x97: {  	_ =	strace $0x8FFFFFFF  }
0x98: {  	s19 =	sld [smem:$0x3FDB];
	_ =	sdelay $0x1  }
0x99: {  	s4 =	simm.s32 $_scs_section_size  }
0x9a: {  	s5 =	simm.s32 $_size__tile_overlayer_lowered;
	s6 =	simm.s32 $_tile_overlayer_lowered  }
0x9b: {  	s22 =	simm.s32 $0x1BFF;
	s21 =	sshll.u32 s6, $0x1;
	s3 =	sadd.s32 s4, s19  }
0x9c: {  	s7 =	simm.s32 $0x0;
	s20 =	sshll.u32 s5, $0x1;
	s5 =	sadd.s32 s21, s3  }
0x9d: {  	[timem:s7], [sflag:s22] =	dma.local [hbm:s5], s20  }
0x9e: {  	_ =	swait.ge [sflag:s22], s20  }
0x9f: {  	s4 =	ssub.s32 $0x0, s20;
	[sflag:s22] =	ssyncset.done $0x0  }
0xa0: {  	[sflag:s22] =	ssyncadd.s32 s4;
	_ =	sdelay $0x1  }
0xa1: {  	s23 =	simm.s32 $0x1B8B  }
0xa2: {  	_ =	swait.ge [sflag:s23], $0x1  }
0xa3: {  	[sflag:s23] =	ssyncset.done $0x0  }
0xa4: {  	s25 =	simm.s32 $0x1B8E;
	s24 =	sld [smem:$0x3FFE];
	[sflag:s23] =	ssyncadd.s32 $0xFFFFFFFF  }
0xa5: {  	s26 =	simm.s32 $execute0_lowered;
	[smem:$0x3FD2] =	sst s25  }
0xa6: {  	s5 =	sshll.u32 s26, $0x1;
	_ =	strace $0x80000046;
	[dreg:$0x1] =	wrdreg $0xFFFFFFFF  }
0xa7: {  	s28 =	simm.s32 $_size_execute0_lowered;
	s3 =	sadd.s32 s3, s5;
	[dreg:$0x0] =	wrdreg $0x0  }
0xa8: {  	s5 =	sshll.u32 s28, $0x1;
	[dreg:$0x2] =	wrdreg s3  }
0xa9: {  	[dreg:$0x3] =	wrdreg s5  }
0xaa: {  	[dreg:$0x4] =	wrdreg $0xC0  }
0xab: {  	_ =	task [dreg:s7], $0x5FFFF  }
0xac: {  	[dreg:$0x1] =	wrdreg $0xFFFFFFFF  }
0xad: {  	[dreg:$0x0] =	wrdreg $0x60  }
0xae: {  	[dreg:$0x2] =	wrdreg s2  }
0xaf: {  	[dreg:$0x3] =	wrdreg s24  }
0xb0: {  	[dreg:$0x4] =	wrdreg $0x9  }
0xb1: {  	_ =	task.clear_ibuf [dreg:s7], $0x5FFFF;
	_ =	strace $0x90000046  }
0xb2: {  	s29 =	simm.s32 $0x9;
	_ =	strace $0x80000048  }
0xb3: {  	_ =	swait.ge [sflag:s29], $0x1  }
0xb4: {  	[sflag:s29] =	ssyncadd.s32 $0xFFFFFFFF  }
0xb5: {  	_ =	strace $0x90000048  }
0xb6: {  	_ =	sfence  }
0xb7: {  	s30 =	sld [smem:$0x0];
	_ =	sdelay $0x2  }
0xb8: {  	s31 =	sshll.u32 s1, $0xD;
	s1 =	sshrl.u32 s1, $0x2  }
0xb9: {  	s3 =	sand.u32 $0x4000, s31;
	s1 =	sadd.s32 s1, s30  }
0xba: {  	s0 =	sor.u32 s3, s0;
	s1 =	sshll.u32 s1, $0x11  }
0xbb: {  	s0 =	sor.u32 s1, s0  }
0xbc: {  	s0 =	sadd.s32 $0x8F2B, s0  }
0xbd: {  	[sflag:s0] =	ssyncadd.remote.s32 $0x1  }
0xbe: {  	_ =	sfence.sel $0xFFFF  }
0xbf: {  	[dreg:$0x0] =	wrdreg $0xFFFFFFFF;
	(pc) =	sbr.abs _section_cstart, $3  }
0xc0: {  	[dreg:$0x1] =	wrdreg $0xFFFFFFFF  }
0xc1: {  	_ =	task.clear_ibuf [dreg:s7], $0x2FFFF;
	_ =	strace $0x9FFFFFFF  }
0xc2: {  	(tm) =	ssettm $0x7FFFFFFF  }
0xc3: {  	_ =	shalt  }
tec
execute0_lowered:
.L_overlay_start_1:
0x0: {  	(tag) =	ssettag $0x1  }
0x1: {  	s0 =	rddreg [dreg:$0x0];
	s1 =	srdreg.scid  }
0x2: {  	s2 =	stileid.u32;
	s5 =	rddreg [dreg:$0x1]  }
0x3: {  	s11 =	simm.s32 $0x7;
	s12 =	simm.s32 $0x80;
	s14 =	simm.s32 $0xA400  }
0x4: {  	s15 =	simm.s32 $0x100;
	s16 =	simm.s32 $0xE400;
	s17 =	simm.s32 $0x1  }
0x5: {  	s18 =	simm.s32 $0x12400;
	s19 =	simm.s32 $0x16400;
	s20 =	simm.s32 $0x2  }
0x6: {  	s21 =	simm.s32 $0x1A400;
	s22 =	simm.s32 $0x3;
	s23 =	simm.s32 $0x5  }
0x7: {  	s24 =	simm.s32 $0x4;
	s1 =	sand.u32 $0x1, s1;
	s3 =	sshll.u32 s2, $0x1  }
0x8: {  	s25 =	simm.s32 $0x6;
	s26 =	simm.s32 $0x0;
	s3 =	sor.u32 s1, s3  }
0x9: {  	s2 =	simm.s32 $0x0;
	s4 =	sadd.s32 $0xF42E00, s5;
	s6 =	smul.u32 $0xC80, s3  }
0xa: {  	[smem:$0x7FF] =	sst s2;
	s1 =	ssub.s32 $0x2, s1;
	s3 =	smul.u32 $0x320000, s3  }
0xb: {  	s5 =	sadd.s32 $0xA00, s5;
	_ =	strace $0x80000047;
	s7 =	sshrl.u32 s1, $0x1  }
0xc: {  	s1 =	ssub.s32 s1, s7;
	s6 =	sadd.s32 s0, s6;
	s7 =	sor.u32 $0x4000, s3  }
0xd: {  	s8 =	sor.u32 $0x8000, s3;
	s9 =	sor.u32 $0xC000, s3;
	s10 =	smax.u32 s1, $0x1  }
.LBB2_1:
0xe: {  	[tilespmem:s2], [sflag:$0x7] =	stream.linear.gather [hbm4b:s6+s2], $0x6400, $0x38;
	[tilespmem:$0x1E400] =	vst v63  }
0xf: {  	_ =	swait.ge [sflag:s11], $0x6400  }
0x10: {  	[sflag:s11] =	ssyncset.done $0x0  }
0x11: {  	s0 =	simm.s32 $0x6400;
	[sflag:s11] =	ssyncadd.s32 $0xFFFF9C00  }
0x12: {  	[tilespmem:s0], [sflag:$0x1] =	stream.indirect.gather [hbm4b:s4+s12], $0x80, s2, s12, $0xb8;
	[tilespmem:$0x1E400] =	vst v63  }
0x13: {  	_ = 	snop  }
0x14: {  	[tilespmem:s14], [sflag:$0x2] =	stream.indirect.gather [hbm4b:s4+s12], $0x80, s12, s12, $0xb8;
	[tilespmem:$0x1E400] =	vst v63  }
0x15: {  	s28 =	simm.s32 $0x0  }
0x16: {  	[tilespmem:s16], [sflag:$0x3] =	stream.indirect.gather [hbm4b:s4+s12], $0x80, s15, s12, $0xb8;
	[tilespmem:$0x1E400] =	vst v63  }
.LBB2_2:
0x17: {  	_ =	swait.ge [sflag:s17], $0x4000;
	s0 =	sshll.u32 s28, $0x9  }
0x18: {  	[sflag:s17] =	ssyncset.done $0x0;
	s30 =	sand.u32 $0x3FFFFE00, s0  }
0x19: {  	p0 =	seq.s32 s28, $0x0;
	[sflag:s17] =	ssyncadd.s32 $0xFFFFC000;
	s0 =	sor.u32 $0x180, s30  }
0x1a: {  	[tilespmem:s18], [sflag:$0x4] =	stream.indirect.gather [hbm4b:s4+s12], $0x80, s0, s12, $0xb8;
	[tilespmem:$0x1E400] =	vst v63  }
0x1b: {  	s0 =	simm.s32 @!p0 $0x5  }
0x1c: {  	_ =	swait.ge @!p0 [sflag:s0], $0x4000  }
0x1d: {  	[sflag:s0] =	ssyncset.done @!p0 $0x0  }
0x1e: {  	s13 =	simm.s32 $0x6600;
	[sflag:s0] =	ssyncadd.s32 @!p0 $0xFFFFC000  }
0x1f: {  	v0 =	vld [tilespmem:s13+$0x180]  }
0x20: {  	v1 =	vld [tilespmem:s13+$0xFFFFFE80]  }
0x21: {  	v2 =	vld [tilespmem:s13+$0xFFFFFF00]  }
0x22: {  	v3 =	vld [tilespmem:s13+$0xFFFFFF80]  }
0x23: {  	v4 =	vld [tilespmem:s13+$0x0]  }
0x24: {  	v5 =	vld [tilespmem:s13+$0x80];
	v0 =	vmul.f32 $8.000000000e+00, v0  }
0x25: {  	s31 =	simm.s32 $0x16600;
	v6 =	vld [tilespmem:s13+$0x100];
	v1 =	vmul.f32 $8.000000000e+00, v1  }
0x26: {  	v7 =	vld [tilespmem:s13+$0xFFFFFE00];
	v2 =	vmul.f32 $8.000000000e+00, v2;
	[tilespmem:s31+$0x180] =	vst v0  }
0x27: {  	[tilespmem:s31+$0xFFFFFE80] =	vst v1;
	v0 =	vmul.f32 $8.000000000e+00, v3;
	v1 =	vld [tilespmem:s13+$0x190]  }
0x28: {  	[tilespmem:s31+$0xFFFFFF00] =	vst v2;
	v2 =	vmul.f32 $8.000000000e+00, v4;
	v3 =	vld [tilespmem:s13+$0xFFFFFE90]  }
0x29: {  	v4 =	vld [tilespmem:s13+$0xFFFFFF10];
	[tilespmem:s31+$0xFFFFFF80] =	vst v0;
	v0 =	vmul.f32 $8.000000000e+00, v5  }
0x2a: {  	[tilespmem:s31+$0x0] =	vst v2;
	v2 =	vmul.f32 $8.000000000e+00, v6;
	v5 =	vld [tilespmem:s13+$0xFFFFFF90]  }
0x2b: {  	v6 =	vmul.f32 $8.000000000e+00, v7;
	v7 =	vld [tilespmem:s13+$0x10];
	[tilespmem:s31+$0x80] =	vst v0  }
0x2c: {  	[tilespmem:s31+$0x100] =	vst v2;
	v0 =	vld [tilespmem:s13+$0x90];
	v1 =	vmul.f32 $8.000000000e+00, v1  }
0x2d: {  	[tilespmem:s31+$0xFFFFFE00] =	vst v6;
	v2 =	vmul.f32 $8.000000000e+00, v3;
	v3 =	vld [tilespmem:s13+$0x110]  }
0x2e: {  	v6 =	vld [tilespmem:s13+$0xFFFFFE10];
	v4 =	vmul.f32 $8.000000000e+00, v4;
	[tilespmem:s31+$0x190] =	vst v1  }
0x2f: {  	[tilespmem:s31+$0xFFFFFE90] =	vst v2;
	v1 =	vmul.f32 $8.000000000e+00, v5;
	v2 =	vld [tilespmem:s13+$0x1A0]  }
0x30: {  	[tilespmem:s31+$0xFFFFFF10] =	vst v4;
	v4 =	vmul.f32 $8.000000000e+00, v7;
	v5 =	vld [tilespmem:s13+$0xFFFFFEA0]  }
0x31: {  	v7 =	vld [tilespmem:s13+$0xFFFFFF20];
	[tilespmem:s31+$0xFFFFFF90] =	vst v1;
	v0 =	vmul.f32 $8.000000000e+00, v0  }
0x32: {  	[tilespmem:s31+$0x10] =	vst v4;
	v1 =	vld [tilespmem:s13+$0xFFFFFFA0];
	v3 =	vmul.f32 $8.000000000e+00, v3  }
0x33: {  	v4 =	vmul.f32 $8.000000000e+00, v6;
	v6 =	vld [tilespmem:s13+$0x20];
	[tilespmem:s31+$0x90] =	vst v0  }
0x34: {  	v0 =	vld [tilespmem:s13+$0xA0];
	[tilespmem:s31+$0x110] =	vst v3;
	v2 =	vmul.f32 $8.000000000e+00, v2  }
0x35: {  	[tilespmem:s31+$0xFFFFFE10] =	vst v4;
	v3 =	vmul.f32 $8.000000000e+00, v5;
	v4 =	vld [tilespmem:s13+$0x120]  }
0x36: {  	v5 =	vld [tilespmem:s13+$0xFFFFFE20];
	v7 =	vmul.f32 $8.000000000e+00, v7;
	[tilespmem:s31+$0x1A0] =	vst v2  }
0x37: {  	[tilespmem:s31+$0xFFFFFEA0] =	vst v3;
	v1 =	vmul.f32 $8.000000000e+00, v1;
	v3 =	vld [tilespmem:s13+$0x1B0]  }
0x38: {  	[tilespmem:s31+$0xFFFFFF20] =	vst v7;
	v2 =	vmul.f32 $8.000000000e+00, v6;
	v8 =	vld [tilespmem:s13+$0xFFFFFEB0]  }
0x39: {  	v7 =	vld [tilespmem:s13+$0xFFFFFF30];
	[tilespmem:s31+$0xFFFFFFA0] =	vst v1;
	v1 =	vmul.f32 $8.000000000e+00, v0  }
0x3a: {  	[tilespmem:s31+$0x20] =	vst v2;
	v0 =	vld [tilespmem:s13+$0xFFFFFFB0];
	v4 =	vmul.f32 $8.000000000e+00, v4  }
0x3b: {  	v5 =	vmul.f32 $8.000000000e+00, v5;
	v2 =	vld [tilespmem:s13+$0x30];
	[tilespmem:s31+$0xA0] =	vst v1  }
0x3c: {  	v1 =	vld [tilespmem:s13+$0xB0];
	[tilespmem:s31+$0x120] =	vst v4;
	v9 =	vmul.f32 $8.000000000e+00, v3  }
0x3d: {  	[tilespmem:s31+$0xFFFFFE20] =	vst v5;
	v3 =	vld [tilespmem:s13+$0x130];
	v6 =	vmul.f32 $8.000000000e+00, v8  }
0x3e: {  	s29 =	sshll.u32 s28, $0x10;
	s1 =	simm.s32 $0x0;
	s0 =	simm.s32 $0x6A00;
	v4 =	vld [tilespmem:s13+$0xFFFFFE30];
	v5 =	vmul.f32 $8.000000000e+00, v7;
	[tilespmem:s31+$0x1B0] =	vst v9  }
.LBB2_3:
0x3f: {  	v7 =	vld [tilespmem:s0+$0x180];
	s1 =	sadd.s32 $0x8, s1;
	[tilespmem:s31+$0xFFFFFEB0] =	vst v6;
	v0 =	vmul.f32 $8.000000000e+00, v0  }
0x40: {  	v6 =	vld [tilespmem:s0+$0xFFFFFE80];
	p0 =	slt.u32 s1, $0x78;
	[tilespmem:s31+$0xFFFFFF30] =	vst v5;
	v2 =	vmul.f32 $8.000000000e+00, v2  }
0x41: {  	v5 =	vld [tilespmem:s0+$0xFFFFFF00];
	[tilespmem:s31+$0xFFFFFFB0] =	vst v0;
	v0 =	vmul.f32 $8.000000000e+00, v1  }
0x42: {  	v1 =	vld [tilespmem:s0+$0xFFFFFF80];
	[tilespmem:s31+$0x30] =	vst v2;
	v2 =	vmul.f32 $8.000000000e+00, v3  }
0x43: {  	v3 =	vld [tilespmem:s0+$0x0];
	v4 =	vmul.f32 $8.000000000e+00, v4;
	[tilespmem:s31+$0xB0] =	vst v0  }
0x44: {  	v0 =	vld [tilespmem:s0+$0x80];
	v7 =	vmul.f32 $8.000000000e+00, v7;
	[tilespmem:s31+$0x130] =	vst v2  }
0x45: {  	v2 =	vmul.f32 $8.000000000e+00, v6;
	v6 =	vld [tilespmem:s0+$0x100];
	[tilespmem:s31+$0xFFFFFE30] =	vst v4;
	s31 =	sadd.s32 $0x400, s31  }
0x46: {  	v4 =	vld [tilespmem:s0+$0xFFFFFE00];
	v5 =	vmul.f32 $8.000000000e+00, v5;
	[tilespmem:s31+$0x180] =	vst v7  }
0x47: {  	[tilespmem:s31+$0xFFFFFE80] =	vst v2;
	v1 =	vmul.f32 $8.000000000e+00, v1;
	v2 =	vld [tilespmem:s0+$0x190]  }
0x48: {  	v7 =	vld [tilespmem:s0+$0xFFFFFE90];
	[tilespmem:s31+$0xFFFFFF00] =	vst v5;
	v3 =	vmul.f32 $8.000000000e+00, v3  }
0x49: {  	v5 =	vld [tilespmem:s0+$0xFFFFFF10];
	[tilespmem:s31+$0xFFFFFF80] =	vst v1;
	v0 =	vmul.f32 $8.000000000e+00, v0  }
0x4a: {  	v1 =	vld [tilespmem:s0+$0xFFFFFF90];
	[tilespmem:s31+$0x0] =	vst v3;
	v3 =	vmul.f32 $8.000000000e+00, v6  }
0x4b: {  	v4 =	vmul.f32 $8.000000000e+00, v4;
	v6 =	vld [tilespmem:s0+$0x10];
	[tilespmem:s31+$0x80] =	vst v0  }
0x4c: {  	v0 =	vld [tilespmem:s0+$0x90];
	[tilespmem:s31+$0x100] =	vst v3;
	v2 =	vmul.f32 $8.000000000e+00, v2  }
0x4d: {  	[tilespmem:s31+$0xFFFFFE00] =	vst v4;
	v3 =	vmul.f32 $8.000000000e+00, v7;
	v4 =	vld [tilespmem:s0+$0x110]  }
0x4e: {  	v7 =	vld [tilespmem:s0+$0xFFFFFE10];
	v5 =	vmul.f32 $8.000000000e+00, v5;
	[tilespmem:s31+$0x190] =	vst v2  }
0x4f: {  	[tilespmem:s31+$0xFFFFFE90] =	vst v3;
	v1 =	vmul.f32 $8.000000000e+00, v1;
	v2 =	vld [tilespmem:s0+$0x1A0]  }
0x50: {  	v3 =	vld [tilespmem:s0+$0xFFFFFEA0];
	[tilespmem:s31+$0xFFFFFF10] =	vst v5;
	v5 =	vmul.f32 $8.000000000e+00, v6  }
0x51: {  	v6 =	vld [tilespmem:s0+$0xFFFFFF20];
	[tilespmem:s31+$0xFFFFFF90] =	vst v1;
	v0 =	vmul.f32 $8.000000000e+00, v0  }
0x52: {  	v1 =	vld [tilespmem:s0+$0xFFFFFFA0];
	[tilespmem:s31+$0x10] =	vst v5;
	v4 =	vmul.f32 $8.000000000e+00, v4  }
0x53: {  	v5 =	vmul.f32 $8.000000000e+00, v7;
	v7 =	vld [tilespmem:s0+$0x20];
	[tilespmem:s31+$0x90] =	vst v0  }
0x54: {  	v0 =	vld [tilespmem:s0+$0xA0];
	[tilespmem:s31+$0x110] =	vst v4;
	v2 =	vmul.f32 $8.000000000e+00, v2  }
0x55: {  	[tilespmem:s31+$0xFFFFFE10] =	vst v5;
	v3 =	vmul.f32 $8.000000000e+00, v3;
	v4 =	vld [tilespmem:s0+$0x120]  }
0x56: {  	v5 =	vld [tilespmem:s0+$0xFFFFFE20];
	v6 =	vmul.f32 $8.000000000e+00, v6;
	[tilespmem:s31+$0x1A0] =	vst v2  }
0x57: {  	[tilespmem:s31+$0xFFFFFEA0] =	vst v3;
	v1 =	vmul.f32 $8.000000000e+00, v1;
	v3 =	vld [tilespmem:s0+$0x1B0]  }
0x58: {  	v8 =	vld [tilespmem:s0+$0xFFFFFEB0];
	[tilespmem:s31+$0xFFFFFF20] =	vst v6;
	v2 =	vmul.f32 $8.000000000e+00, v7  }
0x59: {  	v7 =	vld [tilespmem:s0+$0xFFFFFF30];
	[tilespmem:s31+$0xFFFFFFA0] =	vst v1;
	v1 =	vmul.f32 $8.000000000e+00, v0  }
.Ltmp0:
0x5a: {  	v0 =	vld [tilespmem:s0+$0xFFFFFFB0];
	[tilespmem:s31+$0x20] =	vst v2;
	v4 =	vmul.f32 $8.000000000e+00, v4;
	(pc) =	sbr.rel @p0 .LBB2_3-.Ltmp0, $4  }
0x5b: {  	v5 =	vmul.f32 $8.000000000e+00, v5;
	v2 =	vld [tilespmem:s0+$0x30];
	[tilespmem:s31+$0xA0] =	vst v1  }
0x5c: {  	v1 =	vld [tilespmem:s0+$0xB0];
	[tilespmem:s31+$0x120] =	vst v4;
	v9 =	vmul.f32 $8.000000000e+00, v3  }
0x5d: {  	[tilespmem:s31+$0xFFFFFE20] =	vst v5;
	v6 =	vmul.f32 $8.000000000e+00, v8;
	v3 =	vld [tilespmem:s0+$0x130]  }
0x5e: {  	v4 =	vld [tilespmem:s0+$0xFFFFFE30];
	v5 =	vmul.f32 $8.000000000e+00, v7;
	[tilespmem:s31+$0x1B0] =	vst v9;
	s0 =	sadd.s32 $0x400, s0  }
0x5f: {  	[tilespmem:s31+$0xFFFFFEB0] =	vst v6;
	v0 =	vmul.f32 $8.000000000e+00, v0  }
0x60: {  	[tilespmem:s31+$0xFFFFFF30] =	vst v5;
	v2 =	vmul.f32 $8.000000000e+00, v2  }
0x61: {  	[tilespmem:s31+$0xFFFFFFB0] =	vst v0;
	v0 =	vmul.f32 $8.000000000e+00, v1  }
0x62: {  	[tilespmem:s31+$0x30] =	vst v2;
	v1 =	vmul.f32 $8.000000000e+00, v3  }
0x63: {  	s0 =	sadd.s32 s3, s29;
	v2 =	vmul.f32 $8.000000000e+00, v4;
	[tilespmem:s31+$0xB0] =	vst v0  }
0x64: {  	s0 =	sshrl.u32 s0, $0x3;
	[tilespmem:s31+$0x130] =	vst v1  }
0x65: {  	p0 =	seq.s32 s28, $0x31;
	s0 =	sadd.s32 s5, s0;
	[tilespmem:s31+$0xFFFFFE30] =	vst v2  }
0x66: {  	[hbm4b:s0+s2] =	stream.linear.scatter [tilespmem:s19], [sflag:$0x5], $0x4000, $0x38;
	[tilespmem:$0x1E400] =	vst v63  }
0x67: {  	p1 =	seq.s32 @!p0 s28, $0x0;
	_ =	swait.ge [sflag:s20], $0x4000  }
0x68: {  	s1 =	simm.s32 @!p0 $0x80;
	p1 =	por p0, !p1;
	[sflag:s20] =	ssyncset.done $0x0  }
0x69: {  	s31 =	simm.s32 @!p0 $0x6400;
	s0 =	sadd.s32 @!p0 $0x200, s30;
	[sflag:s20] =	ssyncadd.s32 $0xFFFFC000  }
0x6a: {  	[tilespmem:s31], [sflag:$0x1] =	stream.indirect.gather @!p0 [hbm4b:s4+s1], $0x80, s0, s1, $0xb8;
	[tilespmem:$0x1E400] =	vst v63  }
0x6b: {  	_ =	swait.ge @p1 [sflag:s25], $0x4000  }
0x6c: {  	[sflag:s25] =	ssyncset.done @p1 $0x0  }
0x6d: {  	s31 =	simm.s32 $0x0;
	[sflag:s25] =	ssyncadd.s32 @p1 $0xFFFFC000  }
0x6e: {  	v0 =	vld [tilespmem:s31+$0xA7B0]  }
0x6f: {  	v1 =	vld [tilespmem:s31+$0xA400]  }
0x70: {  	v2 =	vld [tilespmem:s31+$0xA410]  }
0x71: {  	v3 =	vld [tilespmem:s31+$0xA420]  }
0x72: {  	v4 =	vld [tilespmem:s31+$0xA430]  }
0x73: {  	v5 =	vld [tilespmem:s31+$0xA480];
	v0 =	vmul.f32 $8.000000000e+00, v0  }
0x74: {  	v6 =	vld [tilespmem:s31+$0xA490];
	v1 =	vmul.f32 $8.000000000e+00, v1  }
0x75: {  	v7 =	vld [tilespmem:s31+$0xA4A0];
	v2 =	vmul.f32 $8.000000000e+00, v2;
	[tilespmem:s31+$0x1A7B0] =	vst v0  }
0x76: {  	[tilespmem:s31+$0x1A400] =	vst v1;
	v0 =	vmul.f32 $8.000000000e+00, v3;
	v1 =	vld [tilespmem:s31+$0xA4B0]  }
0x77: {  	[tilespmem:s31+$0x1A410] =	vst v2;
	v2 =	vmul.f32 $8.000000000e+00, v4;
	v3 =	vld [tilespmem:s31+$0xA500]  }
0x78: {  	v4 =	vld [tilespmem:s31+$0xA510];
	[tilespmem:s31+$0x1A420] =	vst v0;
	v0 =	vmul.f32 $8.000000000e+00, v5  }
0x79: {  	[tilespmem:s31+$0x1A430] =	vst v2;
	v2 =	vmul.f32 $8.000000000e+00, v6;
	v5 =	vld [tilespmem:s31+$0xA520]  }
0x7a: {  	v6 =	vld [tilespmem:s31+$0xA530];
	[tilespmem:s31+$0x1A480] =	vst v0;
	v0 =	vmul.f32 $8.000000000e+00, v7  }
0x7b: {  	[tilespmem:s31+$0x1A490] =	vst v2;
	v2 =	vld [tilespmem:s31+$0xA580];
	v1 =	vmul.f32 $8.000000000e+00, v1  }
0x7c: {  	[tilespmem:s31+$0x1A4A0] =	vst v0;
	v0 =	vmul.f32 $8.000000000e+00, v3;
	v3 =	vld [tilespmem:s31+$0xA590]  }
0x7d: {  	[tilespmem:s31+$0x1A4B0] =	vst v1;
	v1 =	vmul.f32 $8.000000000e+00, v4;
	v4 =	vld [tilespmem:s31+$0xA5A0]  }
0x7e: {  	[tilespmem:s31+$0x1A500] =	vst v0;
	v0 =	vmul.f32 $8.000000000e+00, v5;
	v5 =	vld [tilespmem:s31+$0xA5B0]  }
0x7f: {  	[tilespmem:s31+$0x1A510] =	vst v1;
	v1 =	vmul.f32 $8.000000000e+00, v6;
	v6 =	vld [tilespmem:s31+$0xA600]  }
0x80: {  	[tilespmem:s31+$0x1A520] =	vst v0;
	v0 =	vmul.f32 $8.000000000e+00, v2;
	v2 =	vld [tilespmem:s31+$0xA610]  }
0x81: {  	[tilespmem:s31+$0x1A530] =	vst v1;
	v1 =	vmul.f32 $8.000000000e+00, v3;
	v3 =	vld [tilespmem:s31+$0xA620]  }
0x82: {  	[tilespmem:s31+$0x1A580] =	vst v0;
	v0 =	vmul.f32 $8.000000000e+00, v4;
	v4 =	vld [tilespmem:s31+$0xA630]  }
0x83: {  	[tilespmem:s31+$0x1A590] =	vst v1;
	v1 =	vmul.f32 $8.000000000e+00, v5;
	v5 =	vld [tilespmem:s31+$0xA680]  }
0x84: {  	[tilespmem:s31+$0x1A5A0] =	vst v0;
	v0 =	vmul.f32 $8.000000000e+00, v6;
	v6 =	vld [tilespmem:s31+$0xA690]  }
0x85: {  	[tilespmem:s31+$0x1A5B0] =	vst v1;
	v1 =	vmul.f32 $8.000000000e+00, v2;
	v2 =	vld [tilespmem:s31+$0xA6A0]  }
0x86: {  	v7 =	vld [tilespmem:s31+$0xA6B0];
	[tilespmem:s31+$0x1A600] =	vst v0;
	v0 =	vmul.f32 $8.000000000e+00, v3  }
0x87: {  	[tilespmem:s31+$0x1A610] =	vst v1;
	v1 =	vmul.f32 $8.000000000e+00, v4;
	v4 =	vld [tilespmem:s31+$0xA700]  }
0x88: {  	v3 =	vld [tilespmem:s31+$0xA710];
	[tilespmem:s31+$0x1A620] =	vst v0;
	v5 =	vmul.f32 $8.000000000e+00, v5  }
0x89: {  	v0 =	vld [tilespmem:s31+$0xA720];
	[tilespmem:s31+$0x1A630] =	vst v1;
	v6 =	vmul.f32 $8.000000000e+00, v6  }
0x8a: {  	v1 =	vld [tilespmem:s31+$0xA730];
	[tilespmem:s31+$0x1A680] =	vst v5;
	v5 =	vmul.f32 $8.000000000e+00, v2  }
0x8b: {  	v2 =	vld [tilespmem:s31+$0xA780];
	[tilespmem:s31+$0x1A690] =	vst v6;
	v6 =	vmul.f32 $8.000000000e+00, v7  }
0x8c: {  	s1 =	simm.s32 $0x0;
	s0 =	simm.s32 $0x1000;
	[tilespmem:s31+$0x1A6A0] =	vst v5;
	v5 =	vmul.f32 $8.000000000e+00, v4;
	v4 =	vld [tilespmem:s31+$0xA790]  }
.LBB2_5:
0x8d: {  	s13 =	sshra.s32 s0, $0x2;
	s1 =	sadd.s32 $0x8, s1;
	[tilespmem:s31+$0x1A6B0] =	vst v6;
	v3 =	vmul.f32 $8.000000000e+00, v3;
	v6 =	vld [tilespmem:s31+$0xA7A0]  }
0x8e: {  	v7 =	vld [tilespmem:s13+$0xA7B0];
	p1 =	slt.u32 s1, $0x78;
	[tilespmem:s31+$0x1A700] =	vst v5;
	v0 =	vmul.f32 $8.000000000e+00, v0  }
0x8f: {  	v5 =	vld [tilespmem:s13+$0xA400];
	[tilespmem:s31+$0x1A710] =	vst v3;
	v1 =	vmul.f32 $8.000000000e+00, v1  }
0x90: {  	v3 =	vld [tilespmem:s13+$0xA410];
	[tilespmem:s31+$0x1A720] =	vst v0;
	v0 =	vmul.f32 $8.000000000e+00, v2  }
0x91: {  	v2 =	vld [tilespmem:s13+$0xA420];
	[tilespmem:s31+$0x1A730] =	vst v1;
	v1 =	vmul.f32 $8.000000000e+00, v4  }
0x92: {  	v4 =	vld [tilespmem:s13+$0xA430];
	[tilespmem:s31+$0x1A780] =	vst v0;
	v0 =	vmul.f32 $8.000000000e+00, v6  }
0x93: {  	v6 =	vld [tilespmem:s13+$0xA480];
	v7 =	vmul.f32 $8.000000000e+00, v7;
	[tilespmem:s31+$0x1A790] =	vst v1  }
0x94: {  	v1 =	vmul.f32 $8.000000000e+00, v5;
	v5 =	vld [tilespmem:s13+$0xA490];
	[tilespmem:s31+$0x1A7A0] =	vst v0;
	s31 =	smov.u32 s13  }
0x95: {  	v0 =	vmul.f32 $8.000000000e+00, v3;
	v3 =	vld [tilespmem:s31+$0xA4A0];
	[tilespmem:s31+$0x1A7B0] =	vst v7  }
0x96: {  	[tilespmem:s31+$0x1A400] =	vst v1;
	v1 =	vmul.f32 $8.000000000e+00, v2;
	v2 =	vld [tilespmem:s31+$0xA4B0]  }
0x97: {  	[tilespmem:s31+$0x1A410] =	vst v0;
	v0 =	vmul.f32 $8.000000000e+00, v4;
	v4 =	vld [tilespmem:s31+$0xA500]  }
0x98: {  	[tilespmem:s31+$0x1A420] =	vst v1;
	v1 =	vmul.f32 $8.000000000e+00, v6;
	v6 =	vld [tilespmem:s31+$0xA510]  }
0x99: {  	[tilespmem:s31+$0x1A430] =	vst v0;
	v0 =	vmul.f32 $8.000000000e+00, v5;
	v5 =	vld [tilespmem:s31+$0xA520]  }
0x9a: {  	[tilespmem:s31+$0x1A480] =	vst v1;
	v1 =	vmul.f32 $8.000000000e+00, v3;
	v3 =	vld [tilespmem:s31+$0xA530]  }
0x9b: {  	[tilespmem:s31+$0x1A490] =	vst v0;
	v0 =	vmul.f32 $8.000000000e+00, v2;
	v2 =	vld [tilespmem:s31+$0xA580]  }
0x9c: {  	[tilespmem:s31+$0x1A4A0] =	vst v1;
	v1 =	vmul.f32 $8.000000000e+00, v4;
	v4 =	vld [tilespmem:s31+$0xA590]  }
0x9d: {  	[tilespmem:s31+$0x1A4B0] =	vst v0;
	v0 =	vmul.f32 $8.000000000e+00, v6;
	v6 =	vld [tilespmem:s31+$0xA5A0]  }
0x9e: {  	[tilespmem:s31+$0x1A500] =	vst v1;
	v1 =	vmul.f32 $8.000000000e+00, v5;
	v5 =	vld [tilespmem:s31+$0xA5B0]  }
0x9f: {  	[tilespmem:s31+$0x1A510] =	vst v0;
	v0 =	vmul.f32 $8.000000000e+00, v3;
	v3 =	vld [tilespmem:s31+$0xA600]  }
0xa0: {  	[tilespmem:s31+$0x1A520] =	vst v1;
	v1 =	vmul.f32 $8.000000000e+00, v2;
	v2 =	vld [tilespmem:s31+$0xA610]  }
0xa1: {  	[tilespmem:s31+$0x1A530] =	vst v0;
	v0 =	vmul.f32 $8.000000000e+00, v4;
	v4 =	vld [tilespmem:s31+$0xA620]  }
0xa2: {  	[tilespmem:s31+$0x1A580] =	vst v1;
	v1 =	vmul.f32 $8.000000000e+00, v6;
	v6 =	vld [tilespmem:s31+$0xA630]  }
0xa3: {  	[tilespmem:s31+$0x1A590] =	vst v0;
	v0 =	vmul.f32 $8.000000000e+00, v5;
	v5 =	vld [tilespmem:s31+$0xA680]  }
0xa4: {  	[tilespmem:s31+$0x1A5A0] =	vst v1;
	v1 =	vmul.f32 $8.000000000e+00, v3;
	v7 =	vld [tilespmem:s31+$0xA690]  }
0xa5: {  	[tilespmem:s31+$0x1A5B0] =	vst v0;
	v0 =	vmul.f32 $8.000000000e+00, v2;
	v2 =	vld [tilespmem:s31+$0xA6A0]  }
0xa6: {  	[tilespmem:s31+$0x1A600] =	vst v1;
	v1 =	vmul.f32 $8.000000000e+00, v4;
	v4 =	vld [tilespmem:s31+$0xA6B0]  }
0xa7: {  	[tilespmem:s31+$0x1A610] =	vst v0;
	v0 =	vmul.f32 $8.000000000e+00, v6;
	v8 =	vld [tilespmem:s31+$0xA700]  }
.Ltmp1:
0xa8: {  	[tilespmem:s31+$0x1A620] =	vst v1;
	v1 =	vmul.f32 $8.000000000e+00, v5;
	v3 =	vld [tilespmem:s31+$0xA710];
	(pc) =	sbr.rel @p1 .LBB2_5-.Ltmp1, $4  }
0xa9: {  	[tilespmem:s31+$0x1A630] =	vst v0;
	v5 =	vmul.f32 $8.000000000e+00, v7;
	v0 =	vld [tilespmem:s31+$0xA720]  }
0xaa: {  	[tilespmem:s31+$0x1A680] =	vst v1;
	v7 =	vmul.f32 $8.000000000e+00, v2;
	v1 =	vld [tilespmem:s31+$0xA730]  }
0xab: {  	[tilespmem:s31+$0x1A690] =	vst v5;
	v6 =	vmul.f32 $8.000000000e+00, v4;
	v2 =	vld [tilespmem:s31+$0xA780]  }
0xac: {  	s0 =	sadd.s32 $0x1000, s0;
	[tilespmem:s31+$0x1A6A0] =	vst v7;
	v5 =	vmul.f32 $8.000000000e+00, v8;
	v4 =	vld [tilespmem:s31+$0xA790]  }
0xad: {  	[tilespmem:s31+$0x1A6B0] =	vst v6;
	v3 =	vmul.f32 $8.000000000e+00, v3;
	v6 =	vld [tilespmem:s31+$0xA7A0]  }
0xae: {  	[tilespmem:s31+$0x1A700] =	vst v5;
	v0 =	vmul.f32 $8.000000000e+00, v0  }
0xaf: {  	[tilespmem:s31+$0x1A710] =	vst v3;
	v1 =	vmul.f32 $8.000000000e+00, v1  }
0xb0: {  	[tilespmem:s31+$0x1A720] =	vst v0;
	v0 =	vmul.f32 $8.000000000e+00, v2  }
0xb1: {  	[tilespmem:s31+$0x1A730] =	vst v1;
	v1 =	vmul.f32 $8.000000000e+00, v4  }
0xb2: {  	s0 =	sadd.s32 s29, s7;
	[tilespmem:s31+$0x1A780] =	vst v0;
	v0 =	vmul.f32 $8.000000000e+00, v6  }
0xb3: {  	s0 =	sshrl.u32 s0, $0x3;
	[tilespmem:s31+$0x1A790] =	vst v1  }
0xb4: {  	s0 =	sadd.s32 s5, s0;
	[tilespmem:s31+$0x1A7A0] =	vst v0  }
0xb5: {  	[hbm4b:s0+s2] =	stream.linear.scatter [tilespmem:s21], [sflag:$0x6], $0x4000, $0x38;
	[tilespmem:$0x1E400] =	vst v63  }
0xb6: {  	_ =	swait.ge [sflag:s22], $0x4000  }
0xb7: {  	s1 =	simm.s32 @!p0 $0x80;
	[sflag:s22] =	ssyncset.done $0x0  }
0xb8: {  	s13 =	simm.s32 @!p0 $0xA400;
	s0 =	sadd.s32 @!p0 $0x280, s30;
	[sflag:s22] =	ssyncadd.s32 $0xFFFFC000  }
0xb9: {  	[tilespmem:s13], [sflag:$0x2] =	stream.indirect.gather @!p0 [hbm4b:s4+s1], $0x80, s0, s1, $0xb8;
	[tilespmem:$0x1E400] =	vst v63  }
0xba: {  	_ =	swait.ge [sflag:s23], $0x4000  }
0xbb: {  	[sflag:s23] =	ssyncset.done $0x0  }
0xbc: {  	s31 =	simm.s32 $0x0;
	[sflag:s23] =	ssyncadd.s32 $0xFFFFC000  }
0xbd: {  	v0 =	vld [tilespmem:s31+$0xE7B0]  }
0xbe: {  	v1 =	vld [tilespmem:s31+$0xE400]  }
0xbf: {  	v2 =	vld [tilespmem:s31+$0xE410]  }
0xc0: {  	v3 =	vld [tilespmem:s31+$0xE420]  }
0xc1: {  	v4 =	vld [tilespmem:s31+$0xE430]  }
0xc2: {  	v5 =	vld [tilespmem:s31+$0xE480];
	v0 =	vmul.f32 $8.000000000e+00, v0  }
0xc3: {  	v6 =	vld [tilespmem:s31+$0xE490];
	v1 =	vmul.f32 $8.000000000e+00, v1  }
0xc4: {  	v7 =	vld [tilespmem:s31+$0xE4A0];
	v2 =	vmul.f32 $8.000000000e+00, v2;
	[tilespmem:s31+$0x167B0] =	vst v0  }
0xc5: {  	[tilespmem:s31+$0x16400] =	vst v1;
	v0 =	vmul.f32 $8.000000000e+00, v3;
	v1 =	vld [tilespmem:s31+$0xE4B0]  }
0xc6: {  	[tilespmem:s31+$0x16410] =	vst v2;
	v2 =	vmul.f32 $8.000000000e+00, v4;
	v3 =	vld [tilespmem:s31+$0xE500]  }
0xc7: {  	v4 =	vld [tilespmem:s31+$0xE510];
	[tilespmem:s31+$0x16420] =	vst v0;
	v0 =	vmul.f32 $8.000000000e+00, v5  }
0xc8: {  	[tilespmem:s31+$0x16430] =	vst v2;
	v2 =	vmul.f32 $8.000000000e+00, v6;
	v5 =	vld [tilespmem:s31+$0xE520]  }
0xc9: {  	v6 =	vld [tilespmem:s31+$0xE530];
	[tilespmem:s31+$0x16480] =	vst v0;
	v0 =	vmul.f32 $8.000000000e+00, v7  }
0xca: {  	[tilespmem:s31+$0x16490] =	vst v2;
	v2 =	vld [tilespmem:s31+$0xE580];
	v1 =	vmul.f32 $8.000000000e+00, v1  }
0xcb: {  	[tilespmem:s31+$0x164A0] =	vst v0;
	v0 =	vmul.f32 $8.000000000e+00, v3;
	v3 =	vld [tilespmem:s31+$0xE590]  }
0xcc: {  	[tilespmem:s31+$0x164B0] =	vst v1;
	v1 =	vmul.f32 $8.000000000e+00, v4;
	v4 =	vld [tilespmem:s31+$0xE5A0]  }
0xcd: {  	[tilespmem:s31+$0x16500] =	vst v0;
	v0 =	vmul.f32 $8.000000000e+00, v5;
	v5 =	vld [tilespmem:s31+$0xE5B0]  }
0xce: {  	[tilespmem:s31+$0x16510] =	vst v1;
	v1 =	vmul.f32 $8.000000000e+00, v6;
	v6 =	vld [tilespmem:s31+$0xE600]  }
0xcf: {  	[tilespmem:s31+$0x16520] =	vst v0;
	v0 =	vmul.f32 $8.000000000e+00, v2;
	v2 =	vld [tilespmem:s31+$0xE610]  }
0xd0: {  	[tilespmem:s31+$0x16530] =	vst v1;
	v1 =	vmul.f32 $8.000000000e+00, v3;
	v3 =	vld [tilespmem:s31+$0xE620]  }
0xd1: {  	[tilespmem:s31+$0x16580] =	vst v0;
	v0 =	vmul.f32 $8.000000000e+00, v4;
	v4 =	vld [tilespmem:s31+$0xE630]  }
0xd2: {  	[tilespmem:s31+$0x16590] =	vst v1;
	v1 =	vmul.f32 $8.000000000e+00, v5;
	v5 =	vld [tilespmem:s31+$0xE680]  }
0xd3: {  	[tilespmem:s31+$0x165A0] =	vst v0;
	v0 =	vmul.f32 $8.000000000e+00, v6;
	v6 =	vld [tilespmem:s31+$0xE690]  }
0xd4: {  	[tilespmem:s31+$0x165B0] =	vst v1;
	v1 =	vmul.f32 $8.000000000e+00, v2;
	v2 =	vld [tilespmem:s31+$0xE6A0]  }
0xd5: {  	v7 =	vld [tilespmem:s31+$0xE6B0];
	[tilespmem:s31+$0x16600] =	vst v0;
	v0 =	vmul.f32 $8.000000000e+00, v3  }
0xd6: {  	[tilespmem:s31+$0x16610] =	vst v1;
	v1 =	vmul.f32 $8.000000000e+00, v4;
	v4 =	vld [tilespmem:s31+$0xE700]  }
0xd7: {  	v3 =	vld [tilespmem:s31+$0xE710];
	[tilespmem:s31+$0x16620] =	vst v0;
	v5 =	vmul.f32 $8.000000000e+00, v5  }
0xd8: {  	v0 =	vld [tilespmem:s31+$0xE720];
	[tilespmem:s31+$0x16630] =	vst v1;
	v6 =	vmul.f32 $8.000000000e+00, v6  }
0xd9: {  	v1 =	vld [tilespmem:s31+$0xE730];
	[tilespmem:s31+$0x16680] =	vst v5;
	v5 =	vmul.f32 $8.000000000e+00, v2  }
0xda: {  	v2 =	vld [tilespmem:s31+$0xE780];
	[tilespmem:s31+$0x16690] =	vst v6;
	v6 =	vmul.f32 $8.000000000e+00, v7  }
0xdb: {  	s1 =	simm.s32 $0x0;
	s0 =	simm.s32 $0x1000;
	[tilespmem:s31+$0x166A0] =	vst v5;
	v5 =	vmul.f32 $8.000000000e+00, v4;
	v4 =	vld [tilespmem:s31+$0xE790]  }
.LBB2_7:
0xdc: {  	s13 =	sshra.s32 s0, $0x2;
	s1 =	sadd.s32 $0x8, s1;
	[tilespmem:s31+$0x166B0] =	vst v6;
	v3 =	vmul.f32 $8.000000000e+00, v3;
	v6 =	vld [tilespmem:s31+$0xE7A0]  }
0xdd: {  	v7 =	vld [tilespmem:s13+$0xE7B0];
	p1 =	slt.u32 s1, $0x78;
	[tilespmem:s31+$0x16700] =	vst v5;
	v0 =	vmul.f32 $8.000000000e+00, v0  }
0xde: {  	v5 =	vld [tilespmem:s13+$0xE400];
	[tilespmem:s31+$0x16710] =	vst v3;
	v1 =	vmul.f32 $8.000000000e+00, v1  }
0xdf: {  	v3 =	vld [tilespmem:s13+$0xE410];
	[tilespmem:s31+$0x16720] =	vst v0;
	v0 =	vmul.f32 $8.000000000e+00, v2  }
0xe0: {  	v2 =	vld [tilespmem:s13+$0xE420];
	[tilespmem:s31+$0x16730] =	vst v1;
	v1 =	vmul.f32 $8.000000000e+00, v4  }
0xe1: {  	v4 =	vld [tilespmem:s13+$0xE430];
	[tilespmem:s31+$0x16780] =	vst v0;
	v0 =	vmul.f32 $8.000000000e+00, v6  }
0xe2: {  	v6 =	vld [tilespmem:s13+$0xE480];
	v7 =	vmul.f32 $8.000000000e+00, v7;
	[tilespmem:s31+$0x16790] =	vst v1  }
0xe3: {  	v1 =	vmul.f32 $8.000000000e+00, v5;
	v5 =	vld [tilespmem:s13+$0xE490];
	[tilespmem:s31+$0x167A0] =	vst v0;
	s31 =	smov.u32 s13  }
0xe4: {  	v0 =	vmul.f32 $8.000000000e+00, v3;
	v3 =	vld [tilespmem:s31+$0xE4A0];
	[tilespmem:s31+$0x167B0] =	vst v7  }
0xe5: {  	[tilespmem:s31+$0x16400] =	vst v1;
	v1 =	vmul.f32 $8.000000000e+00, v2;
	v2 =	vld [tilespmem:s31+$0xE4B0]  }
0xe6: {  	[tilespmem:s31+$0x16410] =	vst v0;
	v0 =	vmul.f32 $8.000000000e+00, v4;
	v4 =	vld [tilespmem:s31+$0xE500]  }
0xe7: {  	[tilespmem:s31+$0x16420] =	vst v1;
	v1 =	vmul.f32 $8.000000000e+00, v6;
	v6 =	vld [tilespmem:s31+$0xE510]  }
0xe8: {  	[tilespmem:s31+$0x16430] =	vst v0;
	v0 =	vmul.f32 $8.000000000e+00, v5;
	v5 =	vld [tilespmem:s31+$0xE520]  }
0xe9: {  	[tilespmem:s31+$0x16480] =	vst v1;
	v1 =	vmul.f32 $8.000000000e+00, v3;
	v3 =	vld [tilespmem:s31+$0xE530]  }
0xea: {  	[tilespmem:s31+$0x16490] =	vst v0;
	v0 =	vmul.f32 $8.000000000e+00, v2;
	v2 =	vld [tilespmem:s31+$0xE580]  }
0xeb: {  	[tilespmem:s31+$0x164A0] =	vst v1;
	v1 =	vmul.f32 $8.000000000e+00, v4;
	v4 =	vld [tilespmem:s31+$0xE590]  }
0xec: {  	[tilespmem:s31+$0x164B0] =	vst v0;
	v0 =	vmul.f32 $8.000000000e+00, v6;
	v6 =	vld [tilespmem:s31+$0xE5A0]  }
0xed: {  	[tilespmem:s31+$0x16500] =	vst v1;
	v1 =	vmul.f32 $8.000000000e+00, v5;
	v5 =	vld [tilespmem:s31+$0xE5B0]  }
0xee: {  	[tilespmem:s31+$0x16510] =	vst v0;
	v0 =	vmul.f32 $8.000000000e+00, v3;
	v3 =	vld [tilespmem:s31+$0xE600]  }
0xef: {  	[tilespmem:s31+$0x16520] =	vst v1;
	v1 =	vmul.f32 $8.000000000e+00, v2;
	v2 =	vld [tilespmem:s31+$0xE610]  }
0xf0: {  	[tilespmem:s31+$0x16530] =	vst v0;
	v0 =	vmul.f32 $8.000000000e+00, v4;
	v4 =	vld [tilespmem:s31+$0xE620]  }
0xf1: {  	[tilespmem:s31+$0x16580] =	vst v1;
	v1 =	vmul.f32 $8.000000000e+00, v6;
	v6 =	vld [tilespmem:s31+$0xE630]  }
0xf2: {  	[tilespmem:s31+$0x16590] =	vst v0;
	v0 =	vmul.f32 $8.000000000e+00, v5;
	v5 =	vld [tilespmem:s31+$0xE680]  }
0xf3: {  	[tilespmem:s31+$0x165A0] =	vst v1;
	v1 =	vmul.f32 $8.000000000e+00, v3;
	v7 =	vld [tilespmem:s31+$0xE690]  }
0xf4: {  	[tilespmem:s31+$0x165B0] =	vst v0;
	v0 =	vmul.f32 $8.000000000e+00, v2;
	v2 =	vld [tilespmem:s31+$0xE6A0]  }
0xf5: {  	[tilespmem:s31+$0x16600] =	vst v1;
	v1 =	vmul.f32 $8.000000000e+00, v4;
	v4 =	vld [tilespmem:s31+$0xE6B0]  }
0xf6: {  	[tilespmem:s31+$0x16610] =	vst v0;
	v0 =	vmul.f32 $8.000000000e+00, v6;
	v8 =	vld [tilespmem:s31+$0xE700]  }
.Ltmp2:
0xf7: {  	[tilespmem:s31+$0x16620] =	vst v1;
	v1 =	vmul.f32 $8.000000000e+00, v5;
	v3 =	vld [tilespmem:s31+$0xE710];
	(pc) =	sbr.rel @p1 .LBB2_7-.Ltmp2, $4  }
0xf8: {  	[tilespmem:s31+$0x16630] =	vst v0;
	v5 =	vmul.f32 $8.000000000e+00, v7;
	v0 =	vld [tilespmem:s31+$0xE720]  }
0xf9: {  	[tilespmem:s31+$0x16680] =	vst v1;
	v7 =	vmul.f32 $8.000000000e+00, v2;
	v1 =	vld [tilespmem:s31+$0xE730]  }
0xfa: {  	[tilespmem:s31+$0x16690] =	vst v5;
	v6 =	vmul.f32 $8.000000000e+00, v4;
	v2 =	vld [tilespmem:s31+$0xE780]  }
0xfb: {  	s0 =	sadd.s32 $0x1000, s0;
	[tilespmem:s31+$0x166A0] =	vst v7;
	v5 =	vmul.f32 $8.000000000e+00, v8;
	v4 =	vld [tilespmem:s31+$0xE790]  }
0xfc: {  	[tilespmem:s31+$0x166B0] =	vst v6;
	v3 =	vmul.f32 $8.000000000e+00, v3;
	v6 =	vld [tilespmem:s31+$0xE7A0]  }
0xfd: {  	[tilespmem:s31+$0x16700] =	vst v5;
	v0 =	vmul.f32 $8.000000000e+00, v0  }
0xfe: {  	[tilespmem:s31+$0x16710] =	vst v3;
	v1 =	vmul.f32 $8.000000000e+00, v1  }
0xff: {  	[tilespmem:s31+$0x16720] =	vst v0;
	v0 =	vmul.f32 $8.000000000e+00, v2  }
0x100: {  	[tilespmem:s31+$0x16730] =	vst v1;
	v1 =	vmul.f32 $8.000000000e+00, v4  }
0x101: {  	s0 =	sadd.s32 s29, s8;
	[tilespmem:s31+$0x16780] =	vst v0;
	v0 =	vmul.f32 $8.000000000e+00, v6  }
0x102: {  	s0 =	sshrl.u32 s0, $0x3;
	[tilespmem:s31+$0x16790] =	vst v1  }
0x103: {  	s0 =	sadd.s32 s5, s0;
	[tilespmem:s31+$0x167A0] =	vst v0  }
0x104: {  	[hbm4b:s0+s2] =	stream.linear.scatter [tilespmem:s19], [sflag:$0x5], $0x4000, $0x38;
	[tilespmem:$0x1E400] =	vst v63  }
0x105: {  	_ =	swait.ge [sflag:s24], $0x4000  }
0x106: {  	s1 =	simm.s32 @!p0 $0x80;
	[sflag:s24] =	ssyncset.done $0x0  }
0x107: {  	s13 =	simm.s32 @!p0 $0xE400;
	s0 =	sadd.s32 @!p0 $0x300, s30;
	[sflag:s24] =	ssyncadd.s32 $0xFFFFC000  }
0x108: {  	[tilespmem:s13], [sflag:$0x3] =	stream.indirect.gather @!p0 [hbm4b:s4+s1], $0x80, s0, s1, $0xb8;
	[tilespmem:$0x1E400] =	vst v63  }
0x109: {  	_ =	swait.ge [sflag:s25], $0x4000  }
0x10a: {  	[sflag:s25] =	ssyncset.done $0x0  }
0x10b: {  	s30 =	simm.s32 $0x0;
	[sflag:s25] =	ssyncadd.s32 $0xFFFFC000  }
0x10c: {  	v0 =	vld [tilespmem:s30+$0x127B0]  }
0x10d: {  	v1 =	vld [tilespmem:s30+$0x12400]  }
0x10e: {  	v2 =	vld [tilespmem:s30+$0x12410]  }
0x10f: {  	v3 =	vld [tilespmem:s30+$0x12420]  }
0x110: {  	v4 =	vld [tilespmem:s30+$0x12430]  }
0x111: {  	v5 =	vld [tilespmem:s30+$0x12480];
	v0 =	vmul.f32 $8.000000000e+00, v0  }
0x112: {  	v6 =	vld [tilespmem:s30+$0x12490];
	v1 =	vmul.f32 $8.000000000e+00, v1  }
0x113: {  	v7 =	vld [tilespmem:s30+$0x124A0];
	v2 =	vmul.f32 $8.000000000e+00, v2;
	[tilespmem:s30+$0x1A7B0] =	vst v0  }
0x114: {  	[tilespmem:s30+$0x1A400] =	vst v1;
	v0 =	vmul.f32 $8.000000000e+00, v3;
	v1 =	vld [tilespmem:s30+$0x124B0]  }
0x115: {  	[tilespmem:s30+$0x1A410] =	vst v2;
	v2 =	vmul.f32 $8.000000000e+00, v4;
	v3 =	vld [tilespmem:s30+$0x12500]  }
0x116: {  	v4 =	vld [tilespmem:s30+$0x12510];
	[tilespmem:s30+$0x1A420] =	vst v0;
	v0 =	vmul.f32 $8.000000000e+00, v5  }
0x117: {  	[tilespmem:s30+$0x1A430] =	vst v2;
	v2 =	vmul.f32 $8.000000000e+00, v6;
	v5 =	vld [tilespmem:s30+$0x12520]  }
0x118: {  	v6 =	vld [tilespmem:s30+$0x12530];
	[tilespmem:s30+$0x1A480] =	vst v0;
	v0 =	vmul.f32 $8.000000000e+00, v7  }
0x119: {  	[tilespmem:s30+$0x1A490] =	vst v2;
	v2 =	vld [tilespmem:s30+$0x12580];
	v1 =	vmul.f32 $8.000000000e+00, v1  }
0x11a: {  	[tilespmem:s30+$0x1A4A0] =	vst v0;
	v0 =	vmul.f32 $8.000000000e+00, v3;
	v3 =	vld [tilespmem:s30+$0x12590]  }
0x11b: {  	[tilespmem:s30+$0x1A4B0] =	vst v1;
	v1 =	vmul.f32 $8.000000000e+00, v4;
	v4 =	vld [tilespmem:s30+$0x125A0]  }
0x11c: {  	[tilespmem:s30+$0x1A500] =	vst v0;
	v0 =	vmul.f32 $8.000000000e+00, v5;
	v5 =	vld [tilespmem:s30+$0x125B0]  }
0x11d: {  	[tilespmem:s30+$0x1A510] =	vst v1;
	v1 =	vmul.f32 $8.000000000e+00, v6;
	v6 =	vld [tilespmem:s30+$0x12600]  }
0x11e: {  	[tilespmem:s30+$0x1A520] =	vst v0;
	v0 =	vmul.f32 $8.000000000e+00, v2;
	v2 =	vld [tilespmem:s30+$0x12610]  }
0x11f: {  	[tilespmem:s30+$0x1A530] =	vst v1;
	v1 =	vmul.f32 $8.000000000e+00, v3;
	v3 =	vld [tilespmem:s30+$0x12620]  }
0x120: {  	[tilespmem:s30+$0x1A580] =	vst v0;
	v0 =	vmul.f32 $8.000000000e+00, v4;
	v4 =	vld [tilespmem:s30+$0x12630]  }
0x121: {  	[tilespmem:s30+$0x1A590] =	vst v1;
	v1 =	vmul.f32 $8.000000000e+00, v5;
	v5 =	vld [tilespmem:s30+$0x12680]  }
0x122: {  	[tilespmem:s30+$0x1A5A0] =	vst v0;
	v0 =	vmul.f32 $8.000000000e+00, v6;
	v6 =	vld [tilespmem:s30+$0x12690]  }
0x123: {  	[tilespmem:s30+$0x1A5B0] =	vst v1;
	v1 =	vmul.f32 $8.000000000e+00, v2;
	v2 =	vld [tilespmem:s30+$0x126A0]  }
0x124: {  	v7 =	vld [tilespmem:s30+$0x126B0];
	[tilespmem:s30+$0x1A600] =	vst v0;
	v0 =	vmul.f32 $8.000000000e+00, v3  }
0x125: {  	[tilespmem:s30+$0x1A610] =	vst v1;
	v1 =	vmul.f32 $8.000000000e+00, v4;
	v4 =	vld [tilespmem:s30+$0x12700]  }
0x126: {  	v3 =	vld [tilespmem:s30+$0x12710];
	[tilespmem:s30+$0x1A620] =	vst v0;
	v5 =	vmul.f32 $8.000000000e+00, v5  }
0x127: {  	v0 =	vld [tilespmem:s30+$0x12720];
	[tilespmem:s30+$0x1A630] =	vst v1;
	v6 =	vmul.f32 $8.000000000e+00, v6  }
0x128: {  	v1 =	vld [tilespmem:s30+$0x12730];
	[tilespmem:s30+$0x1A680] =	vst v5;
	v5 =	vmul.f32 $8.000000000e+00, v2  }
0x129: {  	v2 =	vld [tilespmem:s30+$0x12780];
	[tilespmem:s30+$0x1A690] =	vst v6;
	v6 =	vmul.f32 $8.000000000e+00, v7  }
0x12a: {  	s1 =	simm.s32 $0x0;
	s0 =	simm.s32 $0x1000;
	[tilespmem:s30+$0x1A6A0] =	vst v5;
	v5 =	vmul.f32 $8.000000000e+00, v4;
	v4 =	vld [tilespmem:s30+$0x12790]  }
.LBB2_9:
0x12b: {  	s13 =	sshra.s32 s0, $0x2;
	s1 =	sadd.s32 $0x8, s1;
	[tilespmem:s30+$0x1A6B0] =	vst v6;
	v3 =	vmul.f32 $8.000000000e+00, v3;
	v6 =	vld [tilespmem:s30+$0x127A0]  }
0x12c: {  	v7 =	vld [tilespmem:s13+$0x127B0];
	p0 =	slt.u32 s1, $0x78;
	[tilespmem:s30+$0x1A700] =	vst v5;
	v0 =	vmul.f32 $8.000000000e+00, v0  }
0x12d: {  	v5 =	vld [tilespmem:s13+$0x12400];
	[tilespmem:s30+$0x1A710] =	vst v3;
	v1 =	vmul.f32 $8.000000000e+00, v1  }
0x12e: {  	v3 =	vld [tilespmem:s13+$0x12410];
	[tilespmem:s30+$0x1A720] =	vst v0;
	v0 =	vmul.f32 $8.000000000e+00, v2  }
0x12f: {  	v2 =	vld [tilespmem:s13+$0x12420];
	[tilespmem:s30+$0x1A730] =	vst v1;
	v1 =	vmul.f32 $8.000000000e+00, v4  }
0x130: {  	v4 =	vld [tilespmem:s13+$0x12430];
	[tilespmem:s30+$0x1A780] =	vst v0;
	v0 =	vmul.f32 $8.000000000e+00, v6  }
0x131: {  	v6 =	vld [tilespmem:s13+$0x12480];
	v7 =	vmul.f32 $8.000000000e+00, v7;
	[tilespmem:s30+$0x1A790] =	vst v1  }
0x132: {  	v1 =	vmul.f32 $8.000000000e+00, v5;
	v5 =	vld [tilespmem:s13+$0x12490];
	[tilespmem:s30+$0x1A7A0] =	vst v0;
	s30 =	smov.u32 s13  }
0x133: {  	v0 =	vmul.f32 $8.000000000e+00, v3;
	v3 =	vld [tilespmem:s30+$0x124A0];
	[tilespmem:s30+$0x1A7B0] =	vst v7  }
0x134: {  	[tilespmem:s30+$0x1A400] =	vst v1;
	v1 =	vmul.f32 $8.000000000e+00, v2;
	v2 =	vld [tilespmem:s30+$0x124B0]  }
0x135: {  	[tilespmem:s30+$0x1A410] =	vst v0;
	v0 =	vmul.f32 $8.000000000e+00, v4;
	v4 =	vld [tilespmem:s30+$0x12500]  }
0x136: {  	[tilespmem:s30+$0x1A420] =	vst v1;
	v1 =	vmul.f32 $8.000000000e+00, v6;
	v6 =	vld [tilespmem:s30+$0x12510]  }
0x137: {  	[tilespmem:s30+$0x1A430] =	vst v0;
	v0 =	vmul.f32 $8.000000000e+00, v5;
	v5 =	vld [tilespmem:s30+$0x12520]  }
0x138: {  	[tilespmem:s30+$0x1A480] =	vst v1;
	v1 =	vmul.f32 $8.000000000e+00, v3;
	v3 =	vld [tilespmem:s30+$0x12530]  }
0x139: {  	[tilespmem:s30+$0x1A490] =	vst v0;
	v0 =	vmul.f32 $8.000000000e+00, v2;
	v2 =	vld [tilespmem:s30+$0x12580]  }
0x13a: {  	[tilespmem:s30+$0x1A4A0] =	vst v1;
	v1 =	vmul.f32 $8.000000000e+00, v4;
	v4 =	vld [tilespmem:s30+$0x12590]  }
0x13b: {  	[tilespmem:s30+$0x1A4B0] =	vst v0;
	v0 =	vmul.f32 $8.000000000e+00, v6;
	v6 =	vld [tilespmem:s30+$0x125A0]  }
0x13c: {  	[tilespmem:s30+$0x1A500] =	vst v1;
	v1 =	vmul.f32 $8.000000000e+00, v5;
	v5 =	vld [tilespmem:s30+$0x125B0]  }
0x13d: {  	[tilespmem:s30+$0x1A510] =	vst v0;
	v0 =	vmul.f32 $8.000000000e+00, v3;
	v3 =	vld [tilespmem:s30+$0x12600]  }
0x13e: {  	[tilespmem:s30+$0x1A520] =	vst v1;
	v1 =	vmul.f32 $8.000000000e+00, v2;
	v2 =	vld [tilespmem:s30+$0x12610]  }
0x13f: {  	[tilespmem:s30+$0x1A530] =	vst v0;
	v0 =	vmul.f32 $8.000000000e+00, v4;
	v4 =	vld [tilespmem:s30+$0x12620]  }
0x140: {  	[tilespmem:s30+$0x1A580] =	vst v1;
	v1 =	vmul.f32 $8.000000000e+00, v6;
	v6 =	vld [tilespmem:s30+$0x12630]  }
0x141: {  	[tilespmem:s30+$0x1A590] =	vst v0;
	v0 =	vmul.f32 $8.000000000e+00, v5;
	v5 =	vld [tilespmem:s30+$0x12680]  }
0x142: {  	[tilespmem:s30+$0x1A5A0] =	vst v1;
	v1 =	vmul.f32 $8.000000000e+00, v3;
	v7 =	vld [tilespmem:s30+$0x12690]  }
0x143: {  	[tilespmem:s30+$0x1A5B0] =	vst v0;
	v0 =	vmul.f32 $8.000000000e+00, v2;
	v2 =	vld [tilespmem:s30+$0x126A0]  }
0x144: {  	[tilespmem:s30+$0x1A600] =	vst v1;
	v1 =	vmul.f32 $8.000000000e+00, v4;
	v4 =	vld [tilespmem:s30+$0x126B0]  }
0x145: {  	[tilespmem:s30+$0x1A610] =	vst v0;
	v0 =	vmul.f32 $8.000000000e+00, v6;
	v8 =	vld [tilespmem:s30+$0x12700]  }
.Ltmp3:
0x146: {  	[tilespmem:s30+$0x1A620] =	vst v1;
	v1 =	vmul.f32 $8.000000000e+00, v5;
	v3 =	vld [tilespmem:s30+$0x12710];
	(pc) =	sbr.rel @p0 .LBB2_9-.Ltmp3, $4  }
0x147: {  	[tilespmem:s30+$0x1A630] =	vst v0;
	v5 =	vmul.f32 $8.000000000e+00, v7;
	v0 =	vld [tilespmem:s30+$0x12720]  }
0x148: {  	[tilespmem:s30+$0x1A680] =	vst v1;
	v7 =	vmul.f32 $8.000000000e+00, v2;
	v1 =	vld [tilespmem:s30+$0x12730]  }
0x149: {  	[tilespmem:s30+$0x1A690] =	vst v5;
	v6 =	vmul.f32 $8.000000000e+00, v4;
	v2 =	vld [tilespmem:s30+$0x12780]  }
0x14a: {  	s0 =	sadd.s32 $0x1000, s0;
	[tilespmem:s30+$0x1A6A0] =	vst v7;
	v5 =	vmul.f32 $8.000000000e+00, v8;
	v4 =	vld [tilespmem:s30+$0x12790]  }
0x14b: {  	[tilespmem:s30+$0x1A6B0] =	vst v6;
	v3 =	vmul.f32 $8.000000000e+00, v3;
	v60 =	vld [tilespmem:s30+$0x127A0]  }
0x14c: {  	[tilespmem:s30+$0x1A700] =	vst v5;
	v0 =	vmul.f32 $8.000000000e+00, v0  }
0x14d: {  	s28 =	sadd.s32 $0x1, s28;
	[tilespmem:s30+$0x1A710] =	vst v3;
	v1 =	vmul.f32 $8.000000000e+00, v1  }
0x14e: {  	p0 =	sne.s32 s28, $0x32;
	[tilespmem:s30+$0x1A720] =	vst v0;
	v61 =	vmul.f32 $8.000000000e+00, v2  }
.Ltmp4:
0x14f: {  	[tilespmem:s30+$0x1A730] =	vst v1;
	v62 =	vmul.f32 $8.000000000e+00, v4;
	(pc) =	sbr.rel @p0 .LBB2_2-.Ltmp4, $4  }
0x150: {  	s0 =	sadd.s32 s29, s9;
	[tilespmem:s30+$0x1A780] =	vst v61;
	v63 =	vmul.f32 $8.000000000e+00, v60  }
0x151: {  	s0 =	sshrl.u32 s0, $0x3;
	[tilespmem:s30+$0x1A790] =	vst v62  }
0x152: {  	s0 =	sadd.s32 s5, s0;
	[tilespmem:s30+$0x1A7A0] =	vst v63  }
0x153: {  	[hbm4b:s0+s2] =	stream.linear.scatter [tilespmem:s21], [sflag:$0x6], $0x4000, $0x38;
	[tilespmem:$0x1E400] =	vst v63  }
0x154: {  	s26 =	sadd.s32 $0x1, s26  }
0x155: {  	_ =	swait.ge [sflag:s23], $0x4000;
	p0 =	sne.s32 s26, s10  }
.Ltmp5:
0x156: {  	[sflag:s23] =	ssyncset.done $0x0;
	(pc) =	sbr.rel @p0 .LBB2_1-.Ltmp5, $4  }
0x157: {  	[sflag:s23] =	ssyncadd.s32 $0xFFFFC000  }
0x158: {  	_ =	swait.ge [sflag:s25], $0x4000  }
0x159: {  	[sflag:s25] =	ssyncset.done $0x0  }
0x15a: {  	[sflag:s25] =	ssyncadd.s32 $0xFFFFC000  }
0x15b: {  	_ =	sfence.sel $0x180000  }
0x15c: {  	[bflag:$0x0] =	sbarrier.arrive $0xFFFF  }
0x15d: {  	_ =	strace $0x90000047  }
0x15e: {  	s0 =	stileid.u32;
	[bflag:$0x2] =	sbarrier.arrive $0xFFFF  }
0x15f: {  	p0 =	sne.s32 s0, $0x0;
	s0 =	rddreg [dreg:$0x2]  }
0x160: {  	s0 =	sadd.s32 @!p0 $0x100000, s0  }
0x161: {  	[sflag:s0] =	ssyncadd.tile.s32 @!p0 $0x1;
	_ =	shalt  }
.Lfunc_end2:
_tile_overlayer_lowered:
.L_overlay_start_2:
0x162: {  	(tag) =	ssettag $0x2  }
0x163: {  	s0 =	rddreg [dreg:$0x0];
	s2 =	stileid.u32  }
0x164: {  	s1 =	rddreg [dreg:$0x1];
	p0 =	sne.s32 s2, $0x0  }
0x165: {  	s3 =	rddreg [dreg:$0x2];
	[bflag:$0x3] =	sbarrier.arrive $0xFFFF;
	s2 =	simm.s32 @!p0 $0x1C07  }
0x166: {  	[timem:s3], [sflag:s2] =	dma.local @!p0 [hbm:s0], s1  }
0x167: {  	s0 =	simm.s32 @!p0 $0x7  }
0x168: {  	_ =	swait.ge @!p0 [sflag:s0], s1  }
0x169: {  	s1 =	ssub.s32 @!p0 $0x0, s1;
	[sflag:s0] =	ssyncset.done @!p0 $0x0  }
0x16a: {  	[sflag:s0] =	ssyncadd.s32 @!p0 s1  }
0x16b: {  	[bflag:$0x3] =	sbarrier.arrive $0xFFFF  }
0x16c: {  	_ =	shalt  }

// kernel: sparse-core-data-format-call.cloned.1.call-start
scs
called_computation_lowered:
.L_overlay_start_0:
0x0: {  	s2 =	sld [smem:$0x3FD9]  }
0x1: {  	s3 =	sld [smem:$0x3FFE];
	_ =	sdelay $0x1  }
0x2: {  	s1 =	srdreg.scid  }
0x3: {  	s0 =	sand.u32 $0x1, s1  }
0x4: {  	s18 =	sshll.u32 s0, $0xA;
	s2 =	sadd.s32 s3, s2  }
0x5: {  	s2 =	sadd.s32 s2, s18  }
0x6: {  	[smem:$0x3FC6] =	sst s2  }
0x7: {  	_ = 	snop  }
0x8: {  	s2 =	sld [smem:$0x3FD0];
	(tm) =	ssettm $0x1  }
0x9: {  	s19 =	sld [smem:$0x3FFB];
	_ =	sdelay $0x3  }
0xa: {  	_ =	strace s19  }
0xb: {  	s3 =	sld [smem:$0x3FFC];
	_ =	sdelay $0x3  }
0xc: {  	_ =	strace s3  }
0xd: {  	s3 =	sld [smem:$0x3FFD];
	_ =	sdelay $0x3  }
0xe: {  	_ =	strace s3  }
0xf: {  	_ =	strace $0x8FFFFFFF  }
0x10: {  	s20 =	sld [smem:$0x3FDB];
	_ =	sdelay $0x1  }
0x11: {  	s4 =	simm.s32 $_scs_section_size  }
0x12: {  	s5 =	simm.s32 $_size__tile_overlayer_lowered;
	s6 =	simm.s32 $_tile_overlayer_lowered  }
0x13: {  	s23 =	simm.s32 $0x1BFF;
	s22 =	sshll.u32 s6, $0x1;
	s3 =	sadd.s32 s4, s20  }
0x14: {  	s7 =	simm.s32 $0x0;
	s21 =	sshll.u32 s5, $0x1;
	s5 =	sadd.s32 s22, s3  }
0x15: {  	[timem:s7], [sflag:s23] =	dma.local [hbm:s5], s21  }
0x16: {  	_ =	swait.ge [sflag:s23], s21  }
0x17: {  	s4 =	ssub.s32 $0x0, s21;
	[sflag:s23] =	ssyncset.done $0x0  }
0x18: {  	[sflag:s23] =	ssyncadd.s32 s4;
	_ =	sdelay $0x1  }
0x19: {  	s24 =	simm.s32 $0x1B8B  }
0x1a: {  	_ =	swait.ge [sflag:s24], $0x1  }
0x1b: {  	[sflag:s24] =	ssyncset.done $0x0  }
0x1c: {  	s26 =	simm.s32 $0x1B8E;
	s25 =	sld [smem:$0x3FFE];
	[sflag:s24] =	ssyncadd.s32 $0xFFFFFFFF  }
0x1d: {  	s27 =	simm.s32 $execute0_lowered;
	[smem:$0x3FD2] =	sst s26  }
0x1e: {  	s5 =	sshll.u32 s27, $0x1;
	_ =	strace $0x80000049;
	[dreg:$0x1] =	wrdreg $0xFFFFFFFF  }
0x1f: {  	s28 =	simm.s32 $_size_execute0_lowered;
	s3 =	sadd.s32 s3, s5;
	[dreg:$0x0] =	wrdreg $0x0  }
0x20: {  	s5 =	sshll.u32 s28, $0x1;
	[dreg:$0x2] =	wrdreg s3  }
0x21: {  	[dreg:$0x3] =	wrdreg s5  }
0x22: {  	[dreg:$0x4] =	wrdreg $0xC0  }
0x23: {  	_ =	task [dreg:s7], $0x5FFFF  }
0x24: {  	[dreg:$0x1] =	wrdreg $0xFFFFFFFF  }
0x25: {  	[dreg:$0x0] =	wrdreg $0x60  }
0x26: {  	[dreg:$0x2] =	wrdreg s25  }
0x27: {  	[dreg:$0x3] =	wrdreg s2  }
0x28: {  	[dreg:$0x4] =	wrdreg $0x9  }
0x29: {  	_ =	task.clear_ibuf [dreg:s7], $0x5FFFF;
	_ =	strace $0x90000049  }
0x2a: {  	s29 =	simm.s32 $0x9;
	_ =	strace $0x8000004B  }
0x2b: {  	_ =	swait.ge [sflag:s29], $0x1  }
0x2c: {  	[sflag:s29] =	ssyncadd.s32 $0xFFFFFFFF  }
0x2d: {  	_ =	strace $0x9000004B  }
0x2e: {  	_ =	sfence  }
0x2f: {  	s30 =	sld [smem:$0x0];
	_ =	sdelay $0x2  }
0x30: {  	s31 =	sshll.u32 s1, $0xD;
	s1 =	sshrl.u32 s1, $0x2  }
0x31: {  	s3 =	sand.u32 $0x4000, s31;
	s1 =	sadd.s32 s1, s30  }
0x32: {  	s0 =	sor.u32 s3, s0;
	s1 =	sshll.u32 s1, $0x11  }
0x33: {  	s0 =	sor.u32 s1, s0  }
0x34: {  	s0 =	sadd.s32 $0x8F2B, s0  }
0x35: {  	[sflag:s0] =	ssyncadd.remote.s32 $0x1  }
0x36: {  	_ =	sfence.sel $0xFFFF  }
0x37: {  	[dreg:$0x0] =	wrdreg $0xFFFFFFFF;
	(pc) =	sbr.abs _section_cstart, $3  }
0x38: {  	[dreg:$0x1] =	wrdreg $0xFFFFFFFF  }
0x39: {  	_ =	task.clear_ibuf [dreg:s7], $0x2FFFF;
	_ =	strace $0x9FFFFFFF  }
0x3a: {  	(tm) =	ssettm $0x7FFFFFFF  }
0x3b: {  	_ =	shalt  }
tec
execute0_lowered:
.L_overlay_start_1:
0x0: {  	(tag) =	ssettag $0x1  }
0x1: {  	s0 =	srdreg.scid  }
0x2: {  	s1 =	sshll.u32 s0, $0x4  }
0x3: {  	s0 =	stileid.u32;
	s1 =	sand.u32 $0x10, s1  }
0x4: {  	s1 =	sor.u32 s0, s1  }
0x5: {  	s6 =	rddreg [dreg:$0x0];
	s4 =	simm.s32 $0x1;
	s2 =	sshll.u32 s1, $0x7  }
0x6: {  	s7 =	simm.s32 $0x2;
	s12 =	simm.s32 $0x0;
	s1 =	ssub.s32 $0x1000, s2  }
0x7: {  	s8 =	simm.s32 $0x8000;
	s13 =	simm.s32 $0x0;
	s3 =	sand.u32 $0xF80, s1  }
0x8: {  	s9 =	simm.s32 $0x0;
	s5 =	sshrl.u32 s1, $0xC;
	p0 =	sne.s32 s3, $0x0  }
.Ltmp0:
0x9: {  	s1 =	rddreg [dreg:$0x2];
	s4 =	simm.s32 @!p0 $0x0;
	(pc) =	sbr.rel .LBB1_1-.Ltmp0, $4  }
0xa: {  	s11 =	simm.s32 $0x0;
	s3 =	rddreg [dreg:$0x1];
	s5 =	sadd.s32 s4, s5  }
0xb: {  	_ =	strace $0x8000004A;
	s4 =	simm.s32 $0x1;
	s5 =	smul.u32 $0xC8, s5  }
0xc: {  	s6 =	sadd.s32 $0xA00, s6;
	s10 =	smov.u32 s2;
	[sflag:s4] =	ssyncpa.u1 $0x0  }
0xd: {  	p0 =	por $0x0, $0x0;
	[sflag:s7] =	ssyncpa.u1 $0x0;
	s7 =	sor.u32 $0x1, s5  }
.LBB1_4:
0xe: {  	s16 =	sshll.u32 s13, $0x3;
	s17 =	sand.u32 $0x78, s13  }
0xf: {  	s30 =	sand.u32 $0x7E00, s13;
	s12 =	sshll.u32 s12, $0xF;
	s16 =	sand.u32 $0xC00, s16  }
0x10: {  	[tilespmem:s15+$0x810 ss:$0x81] =	vst.msk $0xffff, v2;
	s31 =	sand.u32 $0x7, s13;
	s16 =	sor.u32 s17, s16;
	s17 =	sadd.s32 s3, s30  }
0x11: {  	[tilespmem:s15+$0x1020 ss:$0x81] =	vst.msk $0xffff, v0;
	s13 =	sshll.u32 s31, $0x12;
	s12 =	sadd.s32 s12, s17;
	s16 =	sshrl.u32 s16, $0x3  }
0x12: {  	[tilespmem:s15+$0x0 ss:$0x81] =	vst.msk $0xffff, v1;
	s13 =	sor.u32 $0x400, s13;
	s12 =	sadd.s32 s16, s12  }
0x13: {  	[hbm4b:s12+s13] =	stream.strided.scatter [tilespmem:s14], [sflag:$0x2], $0x2000, s8, s13, $0x20;
	[tilespmem:$0x8080] =	vst v63  }
.LBB1_5:
0x14: {  	s14 =	sadd.s32 $0x1, s9  }
0x15: {  	s12 =	sadd.s32 $0x1000, s10;
	s16 =	smov.u32 s10;
	p2 =	sgt.s32 s14, $0xC7  }
0x16: {  	s16 =	smov.u32 @p2 s12  }
0x17: {  	s14 =	simm.s32 @p2 $0x0;
	p2 =	sgt.s32 s16, $0xFFF  }
0x18: {  	s16 =	smov.u32 @p2 s2;
	p2 =	sne.s32 s11, s7  }
.Ltmp1:
0x19: {  	p1 =	slt.u32 s11, $0x2;
	(pc) =	sbr.rel @!p2 .LBB1_6-.Ltmp1, $4  }
0x1a: {  	s15 =	simm.s32 @!p1 $0x2  }
0x1b: {  	s13 =	smov.u32 s10;
	p0 =	por !p0, !p0;
	_ =	swait.ge @!p1 [sflag:s15], $0x2000  }
0x1c: {  	s12 =	smov.u32 s9;
	[sflag:s15] =	ssyncset.done @!p1 $0x0;
	s9 =	smov.u32 s14  }
0x1d: {  	s11 =	sadd.s32 $0x1, s11;
	[sflag:s15] =	ssyncadd.s32 @!p1 $0xFFFFE000;
	s10 =	smov.u32 s16  }
.LBB1_1:
0x1e: {  	p1 =	sge.u32 s11, s5  }
0x1f: {  	s14 =	sand.u32 @!p1 $0x1FFFFFF, s9  }
0x20: {  	s15 =	smulhi.u32 @!p1 $0x147AE15, s14;
	_ =	sdelay $0x1  }
0x21: {  	s15 =	smul.u32 @!p1 $0xC8, s15  }
0x22: {  	s16 =	sxor.u32 @!p1 $0xFFFFFFFF, s11;
	s17 =	smul.u32 @!p1 $0xC80, s10  }
0x23: {  	s31 =	sadd.s32 $0xFFFFFFFF, s11;
	s16 =	sshll.u32 @!p1 s16, $0xD;
	s14 =	ssub.s32 @!p1 s14, s15  }
0x24: {  	s15 =	sand.u32 @!p1 $0x2000, s16;
	s16 =	sadd.s32 @!p1 s6, s17;
	s14 =	sshll.u32 @!p1 s14, $0x4  }
0x25: {  	s17 =	simm.s32 @!p1 $0x6400;
	s14 =	sadd.s32 @!p1 s14, s16;
	s16 =	simm.s32 @!p1 $0x40  }
0x26: {  	[tilespmem:s15], [sflag:$0x1] =	stream.strided.gather @!p1 [hbm4b:s14+s16], $0x2000, s17, s16, $0x38;
	[tilespmem:$0x8080] =	vst v63  }
0x27: {  	p1 =	sge.u32 s31, s5  }
.Ltmp2:
0x28: {  	_ = 	snop;
	(pc) =	sbr.rel @p1 .LBB1_5-.Ltmp2, $1  }
0x29: {  	_ =	sdelay $0x3  }
0x2a: {  	s14 =	simm.s32 $0x1  }
0x2b: {  	_ =	swait.ge [sflag:s4], $0x2000;
	s14 =	simm.s32 @!p0 $0x0  }
0x2c: {  	[sflag:s4] =	ssyncset.done $0x0;
	s15 =	sshll.u32 s14, $0xD  }
0x2d: {  	[sflag:s4] =	ssyncadd.s32 $0xFFFFE000;
	s18 =	sor.u32 $0x20, s15  }
0x2e: {  	s14 =	smul.u32 $0x8100, s14;
	v3 =	vld [tilespmem:s18+$0x10]  }
0x2f: {  	s30 =	sand.u32 $0x1, s11;
	v2 =	vld [tilespmem:s18+$0xFFFFFFF0]  }
0x30: {  	s15 =	smul.u32 $0x8100, s30;
	s14 =	sshrl.u32 s14, $0x2;
	v0 =	vld [tilespmem:s18+$0x0]  }
0x31: {  	v1 =	vld [tilespmem:s18+$0xFFFFFFE0];
	s16 =	sor.u32 $0x4000, s14  }
0x32: {  	s31 =	sshrl.u32 s15, $0x2;
	s15 =	sadd.s32 $0x0, s16  }
0x33: {  	s17 =	simm.s32 $0x4;
	s18 =	sadd.s32 $0x40, s18;
	s14 =	sor.u32 $0x4000, s31;
	[tilespmem:s15+$0x1830 ss:$0x81] =	vst.msk $0xffff, v3  }
.LBB1_3:
0x34: {  	v3 =	vld [tilespmem:s18+$0x10];
	p1 =	sne.s32 s17, $0x1FC;
	[tilespmem:s15+$0x810 ss:$0x81] =	vst.msk $0xffff, v2;
	s19 =	smov.u32 s17;
	s17 =	sadd.s32 $0x4, s17  }
.Ltmp3:
0x35: {  	v2 =	vld [tilespmem:s18+$0xFFFFFFF0];
	[tilespmem:s15+$0x1020 ss:$0x81] =	vst.msk $0xffff, v0;
	(pc) =	sbr.rel @p1 .LBB1_3-.Ltmp3, $4  }
0x36: {  	v0 =	vld [tilespmem:s18+$0x0];
	[tilespmem:s15+$0x0 ss:$0x81] =	vst.msk $0xffff, v1  }
0x37: {  	s15 =	sshra.s32 s19, $0x2;
	v1 =	vld [tilespmem:s18+$0xFFFFFFE0]  }
0x38: {  	s15 =	sadd.s32 s15, s16  }
0x39: {  	s18 =	sadd.s32 $0x40, s18;
	[tilespmem:s15+$0x1830 ss:$0x81] =	vst.msk $0xffff, v3  }
.Ltmp4:
0x3a: {  	_ = 	snop;
	(pc) =	sbr.rel .LBB1_4-.Ltmp4, $1  }
0x3b: {  	_ =	sdelay $0x3  }
.LBB1_6:
0x3c: {  	_ =	sfence.sel $0x180000  }
0x3d: {  	s2 =	simm.s32 $0x1;
	[bflag:$0x0] =	sbarrier.arrive $0xFFFF  }
0x3e: {  	s31 =	simm.s32 $0x2;
	[sflag:s2] =	ssyncpa.u1 $0x1  }
0x3f: {  	[sflag:s31] =	ssyncpa.u1 $0x1  }
0x40: {  	p0 =	sne.s32 s0, $0x0;
	_ =	strace $0x9000004A  }
0x41: {  	s0 =	sadd.s32 @!p0 $0x100000, s1;
	[bflag:$0x2] =	sbarrier.arrive $0xFFFF  }
0x42: {  	[sflag:s0] =	ssyncadd.tile.s32 @!p0 $0x1;
	_ =	shalt  }
.Lfunc_end1:
_tile_overlayer_lowered:
.L_overlay_start_2:
0x43: {  	(tag) =	ssettag $0x2  }
0x44: {  	s0 =	rddreg [dreg:$0x0];
	s2 =	stileid.u32  }
0x45: {  	s1 =	rddreg [dreg:$0x1];
	p0 =	sne.s32 s2, $0x0  }
0x46: {  	s3 =	rddreg [dreg:$0x2];
	[bflag:$0x3] =	sbarrier.arrive $0xFFFF;
	s2 =	simm.s32 @!p0 $0x1C01  }
0x47: {  	[timem:s3], [sflag:s2] =	dma.local @!p0 [hbm:s0], s1  }
0x48: {  	s0 =	simm.s32 @!p0 $0x1  }
0x49: {  	_ =	swait.ge @!p0 [sflag:s0], s1  }
0x4a: {  	s1 =	ssub.s32 @!p0 $0x0, s1;
	[sflag:s0] =	ssyncset.done @!p0 $0x0  }
0x4b: {  	[sflag:s0] =	ssyncadd.s32 @!p0 s1  }
0x4c: {  	[bflag:$0x3] =	sbarrier.arrive $0xFFFF  }
0x4d: {  	_ =	shalt  }

</sc_bundles>
